<compile_context>
chip_gen: v7x
topology: tpu7x:2x2x1
jax: 0.10.2.dev20260603
libtpu: 0.0.44.dev20260713+nightly
codegen_flags: <defaults>
</compile_context>

<pallas_src>
import functools
import math

import jax
import jax.numpy as jnp
from jax import lax
from jax.experimental import pallas as pl
from jax.experimental.pallas import tpu as pltpu
from jax.experimental.pallas import tpu_sc as plsc

_CUTOFF = 5.0
_NC = 2
_NS = 16
_NW = _NC * _NS

_SUB = 1000
_NSUB = 10
_G = _SUB * _NSUB
_WIN = 3


def _switch_poly(t):
    half = t * 0.5
    y = half * half
    c = -1.0 / 3628800.0
    c = c * y + (1.0 / 40320.0)
    c = c * y + (-1.0 / 720.0)
    c = c * y + (1.0 / 24.0)
    c = c * y + (-0.5)
    c = c * y + 1.0
    return c * c


def _body(n_nodes, per_w, ngroups,
          vx_hbm, vy_hbm, vz_hbm, dist_hbm, src_hbm, fidx_hbm,
          ox_out, oy_out, oz_out, dist_out, sw_out, mask_out,
          idx_v, src_v, rx_v, ry_v, rz_v, dist_v, sw_v, mask_v,
          sem_vec, sem_dist, sem_out):
    cid = lax.axis_index("c")
    sid = lax.axis_index("s")
    wid = sid * _NC + cid
    base = wid * per_w

    k = math.pi / _CUTOFF

    def _wait_outputs(off):
        out_sl = pl.ds(off, _G)
        pltpu.make_async_copy(rx_v, ox_out.at[out_sl], sem_out).wait()
        pltpu.make_async_copy(ry_v, oy_out.at[out_sl], sem_out).wait()
        pltpu.make_async_copy(rz_v, oz_out.at[out_sl], sem_out).wait()
        pltpu.make_async_copy(dist_v, dist_out.at[out_sl], sem_out).wait()
        pltpu.make_async_copy(sw_v, sw_out.at[out_sl], sem_out).wait()
        pltpu.make_async_copy(mask_v, mask_out.at[out_sl], sem_out).wait()

    def group(g, carry):
        off = base + g * _G
        pltpu.sync_copy(fidx_hbm.at[pl.ds(off, _G)], idx_v)
        pltpu.sync_copy(src_hbm.at[pl.ds(off, _G)], src_v)

        @pl.when(g > 0)
        def _prev():
            _wait_outputs(off - _G)

        def step(j, c2):
            @pl.when(j < _NSUB)
            def _fire():
                sl = pl.ds(j * _SUB, _SUB)
                pltpu.async_copy(vx_hbm.at[idx_v.at[sl]], rx_v.at[sl], sem_vec)
                pltpu.async_copy(vy_hbm.at[idx_v.at[sl]], ry_v.at[sl], sem_vec)
                pltpu.async_copy(vz_hbm.at[idx_v.at[sl]], rz_v.at[sl], sem_vec)
                pltpu.async_copy(dist_hbm.at[idx_v.at[sl]], dist_v.at[sl], sem_dist)

            @pl.when(j >= _WIN)
            def _drain():
                sl = pl.ds((j - _WIN) * _SUB, _SUB)
                pltpu.make_async_copy(
                    vx_hbm.at[idx_v.at[sl]], rx_v.at[sl], sem_vec).wait()
                pltpu.make_async_copy(
                    vy_hbm.at[idx_v.at[sl]], ry_v.at[sl], sem_vec).wait()
                pltpu.make_async_copy(
                    vz_hbm.at[idx_v.at[sl]], rz_v.at[sl], sem_vec).wait()
                pltpu.make_async_copy(
                    dist_hbm.at[idx_v.at[sl]], dist_v.at[sl], sem_dist).wait()
            return c2

        lax.fori_loop(0, _NSUB + _WIN, step, 0)

        def compute(i, c3):
            sl = pl.ds(i * 16, 16)
            d = dist_v[sl]
            s = src_v[sl]
            m = s < n_nodes
            sw = _switch_poly(d * k)
            sw_v[sl] = jnp.where(m, sw, 0.0)
            mask_v[sl] = jnp.where(m, 1, 0)
            return c3

        lax.fori_loop(0, _G // 16, compute, 0)

        out_sl = pl.ds(off, _G)
        pltpu.async_copy(rx_v, ox_out.at[out_sl], sem_out)
        pltpu.async_copy(ry_v, oy_out.at[out_sl], sem_out)
        pltpu.async_copy(rz_v, oz_out.at[out_sl], sem_out)
        pltpu.async_copy(dist_v, dist_out.at[out_sl], sem_out)
        pltpu.async_copy(sw_v, sw_out.at[out_sl], sem_out)
        pltpu.async_copy(mask_v, mask_out.at[out_sl], sem_out)
        return carry

    lax.fori_loop(0, ngroups, group, 0)
    _wait_outputs(base + (ngroups - 1) * _G)


def kernel(coordinates, vec, distances, edge_src, filter_indices):
    n_nodes = coordinates.shape[0]
    e_out = edge_src.shape[0]
    assert e_out % (_NW * _G) == 0
    per_w = e_out // _NW
    ngroups = per_w // _G

    vx = vec[:, 0]
    vy = vec[:, 1]
    vz = vec[:, 2]

    mesh = plsc.VectorSubcoreMesh(
        core_axis_name="c", subcore_axis_name="s",
        num_cores=_NC, num_subcores=_NS)
    run = functools.partial(
        pl.kernel,
        mesh=mesh,
        compiler_params=pltpu.CompilerParams(use_tc_tiling_on_sc=False),
        out_type=[
            jax.ShapeDtypeStruct((e_out,), jnp.float32),
            jax.ShapeDtypeStruct((e_out,), jnp.float32),
            jax.ShapeDtypeStruct((e_out,), jnp.float32),
            jax.ShapeDtypeStruct((e_out,), jnp.float32),
            jax.ShapeDtypeStruct((e_out,), jnp.float32),
            jax.ShapeDtypeStruct((e_out,), jnp.int32),
        ],
        scratch_types=[
            pltpu.VMEM((_G,), jnp.int32),
            pltpu.VMEM((_G,), jnp.int32),
            pltpu.VMEM((_G,), jnp.float32),
            pltpu.VMEM((_G,), jnp.float32),
            pltpu.VMEM((_G,), jnp.float32),
            pltpu.VMEM((_G,), jnp.float32),
            pltpu.VMEM((_G,), jnp.float32),
            pltpu.VMEM((_G,), jnp.int32),
            pltpu.SemaphoreType.DMA,
            pltpu.SemaphoreType.DMA,
            pltpu.SemaphoreType.DMA,
        ],
    )(functools.partial(_body, n_nodes, per_w, ngroups))

    ox, oy, oz, dist_g, switch, mask_i32 = run(
        vx, vy, vz, distances, edge_src, filter_indices)
    vec_g = jnp.stack([ox, oy, oz], axis=-1)
    return vec_g, dist_g, switch, mask_i32.astype(jnp.bool_)

# --- scband reference (transcript-rebuilt; emitter-appended) ---
"""Pipeline reference for scband-graph-filter-processor-6390911336573 (READ-ONLY COPY).

The authoritative reference and input builder live on the scoring server;
editing this copy changes nothing except your own understanding.
"""

import jax, jax.numpy as jnp
import numpy as np

CUTOFF = 5.0
N_NODES = 100000
E_IN = 6400000
E_OUT = 3200000


def setup_inputs(seed: int = 0) -> dict:
    key = jax.random.key(seed)
    k1, k2, k3, k4, k5 = jax.random.split(key, 5)
    coordinates = jax.random.normal(k1, (N_NODES, 3), dtype=jnp.float32)
    vec = jax.random.normal(k2, (E_IN, 3), dtype=jnp.float32)
    distances = jax.random.uniform(k3, (E_IN,), dtype=jnp.float32) * CUTOFF
    edge_src = jax.random.randint(k4, (E_OUT,), 0, N_NODES, dtype=jnp.int64 if jax.config.jax_enable_x64 else jnp.int32).astype(jnp.int32)
    filter_indices = jax.random.randint(k5, (E_OUT,), 0, E_IN, dtype=jnp.int32)
    return {"coordinates": coordinates, "vec": vec, "distances": distances, "edge_src": edge_src, "filter_indices": filter_indices}


def reference(coordinates, vec, distances, edge_src, filter_indices):
    # Faithful translation of GraphFilterProcessor.__call__ on flattened dict fields.
    cutoff = CUTOFF
    n = coordinates.shape[0]
    edge_mask = edge_src < n
    vec_g = vec.at[filter_indices].get(mode='fill', fill_value=cutoff)
    dist_g = distances.at[filter_indices].get(mode='fill', fill_value=cutoff)
    switch = jnp.where(edge_mask, 0.5 * jnp.cos(dist_g * (jnp.pi / cutoff)) + 0.5, 0.0)
    # Outputs of the new graph dict: vec, distances, switch, edge_mask
    return vec_g, dist_g, switch, edge_mask

if __name__ == "__main__":
    import jax
    _d = setup_inputs()
    print(jax.jit(kernel)(*tuple(_d.values())))

</pallas_src>

<mosaic_0001>
#map = affine_map<(d0, d1) -> (0)>
module attributes {stable_mosaic.version = 14 : i64} {
  func.func @_body(%arg0: i32, %arg1: i32, %arg2: memref<6400000xf32, #tpu.memory_space<hbm>>, %arg3: memref<6400000xf32, #tpu.memory_space<hbm>>, %arg4: memref<6400000xf32, #tpu.memory_space<hbm>>, %arg5: memref<6400000xf32, #tpu.memory_space<hbm>>, %arg6: memref<3200000xi32, #tpu.memory_space<hbm>>, %arg7: memref<3200000xi32, #tpu.memory_space<hbm>>, %arg8: memref<3200000xf32, #tpu.memory_space<hbm>>, %arg9: memref<3200000xf32, #tpu.memory_space<hbm>>, %arg10: memref<3200000xf32, #tpu.memory_space<hbm>>, %arg11: memref<3200000xf32, #tpu.memory_space<hbm>>, %arg12: memref<3200000xf32, #tpu.memory_space<hbm>>, %arg13: memref<3200000xi32, #tpu.memory_space<hbm>>, %arg14: memref<10000xi32, #tpu.memory_space<vmem>>, %arg15: memref<10000xi32, #tpu.memory_space<vmem>>, %arg16: memref<10000xf32, #tpu.memory_space<vmem>>, %arg17: memref<10000xf32, #tpu.memory_space<vmem>>, %arg18: memref<10000xf32, #tpu.memory_space<vmem>>, %arg19: memref<10000xf32, #tpu.memory_space<vmem>>, %arg20: memref<10000xf32, #tpu.memory_space<vmem>>, %arg21: memref<10000xi32, #tpu.memory_space<vmem>>, %arg22: memref<!tpu.dma_semaphore, #tpu.memory_space<semaphore_mem>>, %arg23: memref<!tpu.dma_semaphore, #tpu.memory_space<semaphore_mem>>, %arg24: memref<!tpu.dma_semaphore, #tpu.memory_space<semaphore_mem>>) attributes {dimension_semantics = [#tpu.dimension_semantics<core_parallel>, #tpu.dimension_semantics<subcore_parallel>], iteration_bounds = array<i64: 2, 16>, scalar_prefetch = 0 : i64, scratch_operands = 11 : i64, tpu.core_type = #tpu.core_type<sc_vector_subcore>, window_params = [{transform_indices = #map}, {transform_indices = #map}, {transform_indices = #map}, {transform_indices = #map}, {transform_indices = #map}, {transform_indices = #map}, {transform_indices = #map}, {transform_indices = #map}, {transform_indices = #map}, {transform_indices = #map}, {transform_indices = #map}, {transform_indices = #map}]} {
    %mul3A = arith.constant 2 : i32
    %mul3A_0 = arith.muli %arg1, %mul3A : i32
    %add3A = arith.addi %mul3A_0, %arg0 : i32
    %mul3A_1 = arith.constant 100000 : i32
    %mul3A_2 = arith.muli %add3A, %mul3A_1 : i32
    %scan3A = arith.constant 0 : i32
    %scan3A_3 = arith.constant 0 : i32
    %scan3A_4 = arith.constant 10 : i32
    %scan3A_5 = arith.addi %scan3A_3, %scan3A_4 : i32
    %scan3A_6 = arith.constant 1 : i32
    scf.for %scan3A_21 = %scan3A_3 to %scan3A_5 step %scan3A_6  : i32 {
      %mul3A_22 = arith.constant 10000 : i32
      %mul3A_23 = arith.muli %scan3A_21, %mul3A_22 : i32
      %add3A_24 = arith.addi %mul3A_2, %mul3A_23 : i32
      "tpu.region"() ({
        %run_scoped3A = tpu.sem_alloc : memref<!tpu.dma_semaphore, #tpu.memory_space<semaphore_mem>>
        %dma_start3A_50 = tpu.memref_slice %arg7[%add3A_24] : memref<3200000xi32, #tpu.memory_space<hbm>> -> memref<10000xi32, #tpu.memory_space<hbm>>
        %dma_start3A_51 = tpu.memref_slice %arg7[%add3A_24] : memref<3200000xi32, #tpu.memory_space<hbm>> -> memref<10000xi32, #tpu.memory_space<hbm>>
        tpu.enqueue_dma source(%dma_start3A_51 : memref<10000xi32, #tpu.memory_space<hbm>>) target(%arg14 : memref<10000xi32, #tpu.memory_space<vmem>>) target_semaphore(%run_scoped3A : memref<!tpu.dma_semaphore, #tpu.memory_space<semaphore_mem>>)
        %dma_wait3A_52 = tpu.memref_slice %arg7[%add3A_24] : memref<3200000xi32, #tpu.memory_space<hbm>> -> memref<10000xi32, #tpu.memory_space<hbm>>
        %dma_wait3A_53 = tpu.memref_slice %arg7[%add3A_24] : memref<3200000xi32, #tpu.memory_space<hbm>> -> memref<10000xi32, #tpu.memory_space<hbm>>
        tpu.wait_dma2 semaphore(%run_scoped3A : memref<!tpu.dma_semaphore, #tpu.memory_space<semaphore_mem>>) src(%dma_wait3A_53 : memref<10000xi32, #tpu.memory_space<hbm>>) dst(%arg14 : memref<10000xi32, #tpu.memory_space<vmem>>)
        tpu.yield
      }) : () -> ()
      "tpu.region"() ({
        %run_scoped3A = tpu.sem_alloc : memref<!tpu.dma_semaphore, #tpu.memory_space<semaphore_mem>>
        %dma_start3A_50 = tpu.memref_slice %arg6[%add3A_24] : memref<3200000xi32, #tpu.memory_space<hbm>> -> memref<10000xi32, #tpu.memory_space<hbm>>
        %dma_start3A_51 = tpu.memref_slice %arg6[%add3A_24] : memref<3200000xi32, #tpu.memory_space<hbm>> -> memref<10000xi32, #tpu.memory_space<hbm>>
        tpu.enqueue_dma source(%dma_start3A_51 : memref<10000xi32, #tpu.memory_space<hbm>>) target(%arg15 : memref<10000xi32, #tpu.memory_space<vmem>>) target_semaphore(%run_scoped3A : memref<!tpu.dma_semaphore, #tpu.memory_space<semaphore_mem>>)
        %dma_wait3A_52 = tpu.memref_slice %arg6[%add3A_24] : memref<3200000xi32, #tpu.memory_space<hbm>> -> memref<10000xi32, #tpu.memory_space<hbm>>
        %dma_wait3A_53 = tpu.memref_slice %arg6[%add3A_24] : memref<3200000xi32, #tpu.memory_space<hbm>> -> memref<10000xi32, #tpu.memory_space<hbm>>
        tpu.wait_dma2 semaphore(%run_scoped3A : memref<!tpu.dma_semaphore, #tpu.memory_space<semaphore_mem>>) src(%dma_wait3A_53 : memref<10000xi32, #tpu.memory_space<hbm>>) dst(%arg15 : memref<10000xi32, #tpu.memory_space<vmem>>)
        tpu.yield
      }) : () -> ()
      %gt3A = arith.constant 0 : i32
      %gt3A_25 = arith.cmpi sgt, %scan3A_21, %gt3A : i32
      %convert_element_type3A = arith.extui %gt3A_25 : i1 to i32
      %cond3A = arith.constant 0 : i32
      %cond3A_26 = arith.cmpi ne, %convert_element_type3A, %cond3A : i32
      scf.if %cond3A_26 {
        %sub3A = arith.constant 10000 : i32
        %sub3A_50 = arith.subi %add3A_24, %sub3A : i32
        %dma_wait3A_51 = tpu.memref_slice %arg8[%sub3A_50] : memref<3200000xf32, #tpu.memory_space<hbm>> -> memref<10000xf32, #tpu.memory_space<hbm>>
        %dma_wait3A_52 = tpu.memref_slice %arg8[%sub3A_50] : memref<3200000xf32, #tpu.memory_space<hbm>> -> memref<10000xf32, #tpu.memory_space<hbm>>
        tpu.wait_dma2 semaphore(%arg24 : memref<!tpu.dma_semaphore, #tpu.memory_space<semaphore_mem>>) src(%arg16 : memref<10000xf32, #tpu.memory_space<vmem>>) dst(%dma_wait3A_52 : memref<10000xf32, #tpu.memory_space<hbm>>)
        %dma_wait3A_53 = tpu.memref_slice %arg9[%sub3A_50] : memref<3200000xf32, #tpu.memory_space<hbm>> -> memref<10000xf32, #tpu.memory_space<hbm>>
        %dma_wait3A_54 = tpu.memref_slice %arg9[%sub3A_50] : memref<3200000xf32, #tpu.memory_space<hbm>> -> memref<10000xf32, #tpu.memory_space<hbm>>
        tpu.wait_dma2 semaphore(%arg24 : memref<!tpu.dma_semaphore, #tpu.memory_space<semaphore_mem>>) src(%arg17 : memref<10000xf32, #tpu.memory_space<vmem>>) dst(%dma_wait3A_54 : memref<10000xf32, #tpu.memory_space<hbm>>)
        %dma_wait3A_55 = tpu.memref_slice %arg10[%sub3A_50] : memref<3200000xf32, #tpu.memory_space<hbm>> -> memref<10000xf32, #tpu.memory_space<hbm>>
        %dma_wait3A_56 = tpu.memref_slice %arg10[%sub3A_50] : memref<3200000xf32, #tpu.memory_space<hbm>> -> memref<10000xf32, #tpu.memory_space<hbm>>
        tpu.wait_dma2 semaphore(%arg24 : memref<!tpu.dma_semaphore, #tpu.memory_space<semaphore_mem>>) src(%arg18 : memref<10000xf32, #tpu.memory_space<vmem>>) dst(%dma_wait3A_56 : memref<10000xf32, #tpu.memory_space<hbm>>)
        %dma_wait3A_57 = tpu.memref_slice %arg11[%sub3A_50] : memref<3200000xf32, #tpu.memory_space<hbm>> -> memref<10000xf32, #tpu.memory_space<hbm>>
        %dma_wait3A_58 = tpu.memref_slice %arg11[%sub3A_50] : memref<3200000xf32, #tpu.memory_space<hbm>> -> memref<10000xf32, #tpu.memory_space<hbm>>
        tpu.wait_dma2 semaphore(%arg24 : memref<!tpu.dma_semaphore, #tpu.memory_space<semaphore_mem>>) src(%arg19 : memref<10000xf32, #tpu.memory_space<vmem>>) dst(%dma_wait3A_58 : memref<10000xf32, #tpu.memory_space<hbm>>)
        %dma_wait3A_59 = tpu.memref_slice %arg12[%sub3A_50] : memref<3200000xf32, #tpu.memory_space<hbm>> -> memref<10000xf32, #tpu.memory_space<hbm>>
        %dma_wait3A_60 = tpu.memref_slice %arg12[%sub3A_50] : memref<3200000xf32, #tpu.memory_space<hbm>> -> memref<10000xf32, #tpu.memory_space<hbm>>
        tpu.wait_dma2 semaphore(%arg24 : memref<!tpu.dma_semaphore, #tpu.memory_space<semaphore_mem>>) src(%arg20 : memref<10000xf32, #tpu.memory_space<vmem>>) dst(%dma_wait3A_60 : memref<10000xf32, #tpu.memory_space<hbm>>)
        %dma_wait3A_61 = tpu.memref_slice %arg13[%sub3A_50] : memref<3200000xi32, #tpu.memory_space<hbm>> -> memref<10000xi32, #tpu.memory_space<hbm>>
        %dma_wait3A_62 = tpu.memref_slice %arg13[%sub3A_50] : memref<3200000xi32, #tpu.memory_space<hbm>> -> memref<10000xi32, #tpu.memory_space<hbm>>
        tpu.wait_dma2 semaphore(%arg24 : memref<!tpu.dma_semaphore, #tpu.memory_space<semaphore_mem>>) src(%arg21 : memref<10000xi32, #tpu.memory_space<vmem>>) dst(%dma_wait3A_62 : memref<10000xi32, #tpu.memory_space<hbm>>)
      } else {
      }
      %scan3A_27 = arith.constant 0 : i32
      %scan3A_28 = arith.constant 0 : i32
      %scan3A_29 = arith.constant 13 : i32
      %scan3A_30 = arith.addi %scan3A_28, %scan3A_29 : i32
      %scan3A_31 = arith.constant 1 : i32
      scf.for %scan3A_50 = %scan3A_28 to %scan3A_30 step %scan3A_31  : i32 {
        %lt3A = arith.constant 10 : i32
        %lt3A_51 = arith.cmpi slt, %scan3A_50, %lt3A : i32
        %convert_element_type3A_52 = arith.extui %lt3A_51 : i1 to i32
        %cond3A_53 = arith.constant 0 : i32
        %cond3A_54 = arith.cmpi ne, %convert_element_type3A_52, %cond3A_53 : i32
        scf.if %cond3A_54 {
          %mul3A_59 = arith.constant 1000 : i32
          %mul3A_60 = arith.muli %scan3A_50, %mul3A_59 : i32
          %dma_start3A_61 = tpu.memref_slice %arg16[%mul3A_60] : memref<10000xf32, #tpu.memory_space<vmem>> -> memref<1000xf32, #tpu.memory_space<vmem>>
          %dma_start3A_62 = tpu.memref_slice %arg14[%mul3A_60] : memref<10000xi32, #tpu.memory_space<vmem>> -> memref<1000xi32, #tpu.memory_space<vmem>>
          %dma_start3A_63 = arith.constant 0 : i32
          %dma_start3A_64 = tpu.memref_slice %arg2[%dma_start3A_63] : memref<6400000xf32, #tpu.memory_space<hbm>> -> memref<6400000xf32, #tpu.memory_space<hbm>>
          tpu.enqueue_indirect_dma source(%dma_start3A_64 : memref<6400000xf32, #tpu.memory_space<hbm>>) target(%dma_start3A_61 : memref<1000xf32, #tpu.memory_space<vmem>>) offsets(%dma_start3A_62 : memref<1000xi32, #tpu.memory_space<vmem>>) semaphore(%arg22 : memref<!tpu.dma_semaphore, #tpu.memory_space<semaphore_mem>>)
          %dma_start3A_65 = tpu.memref_slice %arg17[%mul3A_60] : memref<10000xf32, #tpu.memory_space<vmem>> -> memref<1000xf32, #tpu.memory_space<vmem>>
          %dma_start3A_66 = tpu.memref_slice %arg14[%mul3A_60] : memref<10000xi32, #tpu.memory_space<vmem>> -> memref<1000xi32, #tpu.memory_space<vmem>>
          %dma_start3A_67 = arith.constant 0 : i32
          %dma_start3A_68 = tpu.memref_slice %arg3[%dma_start3A_67] : memref<6400000xf32, #tpu.memory_space<hbm>> -> memref<6400000xf32, #tpu.memory_space<hbm>>
          tpu.enqueue_indirect_dma source(%dma_start3A_68 : memref<6400000xf32, #tpu.memory_space<hbm>>) target(%dma_start3A_65 : memref<1000xf32, #tpu.memory_space<vmem>>) offsets(%dma_start3A_66 : memref<1000xi32, #tpu.memory_space<vmem>>) semaphore(%arg22 : memref<!tpu.dma_semaphore, #tpu.memory_space<semaphore_mem>>)
          %dma_start3A_69 = tpu.memref_slice %arg18[%mul3A_60] : memref<10000xf32, #tpu.memory_space<vmem>> -> memref<1000xf32, #tpu.memory_space<vmem>>
          %dma_start3A_70 = tpu.memref_slice %arg14[%mul3A_60] : memref<10000xi32, #tpu.memory_space<vmem>> -> memref<1000xi32, #tpu.memory_space<vmem>>
          %dma_start3A_71 = arith.constant 0 : i32
          %dma_start3A_72 = tpu.memref_slice %arg4[%dma_start3A_71] : memref<6400000xf32, #tpu.memory_space<hbm>> -> memref<6400000xf32, #tpu.memory_space<hbm>>
          tpu.enqueue_indirect_dma source(%dma_start3A_72 : memref<6400000xf32, #tpu.memory_space<hbm>>) target(%dma_start3A_69 : memref<1000xf32, #tpu.memory_space<vmem>>) offsets(%dma_start3A_70 : memref<1000xi32, #tpu.memory_space<vmem>>) semaphore(%arg22 : memref<!tpu.dma_semaphore, #tpu.memory_space<semaphore_mem>>)
          %dma_start3A_73 = tpu.memref_slice %arg19[%mul3A_60] : memref<10000xf32, #tpu.memory_space<vmem>> -> memref<1000xf32, #tpu.memory_space<vmem>>
          %dma_start3A_74 = tpu.memref_slice %arg14[%mul3A_60] : memref<10000xi32, #tpu.memory_space<vmem>> -> memref<1000xi32, #tpu.memory_space<vmem>>
          %dma_start3A_75 = arith.constant 0 : i32
          %dma_start3A_76 = tpu.memref_slice %arg5[%dma_start3A_75] : memref<6400000xf32, #tpu.memory_space<hbm>> -> memref<6400000xf32, #tpu.memory_space<hbm>>
          tpu.enqueue_indirect_dma source(%dma_start3A_76 : memref<6400000xf32, #tpu.memory_space<hbm>>) target(%dma_start3A_73 : memref<1000xf32, #tpu.memory_space<vmem>>) offsets(%dma_start3A_74 : memref<1000xi32, #tpu.memory_space<vmem>>) semaphore(%arg23 : memref<!tpu.dma_semaphore, #tpu.memory_space<semaphore_mem>>)
        } else {
        }
        %ge3A = arith.constant 3 : i32
        %ge3A_55 = arith.cmpi sge, %scan3A_50, %ge3A : i32
        %convert_element_type3A_56 = arith.extui %ge3A_55 : i1 to i32
        %cond3A_57 = arith.constant 0 : i32
        %cond3A_58 = arith.cmpi ne, %convert_element_type3A_56, %cond3A_57 : i32
        scf.if %cond3A_58 {
          %sub3A = arith.constant 3 : i32
          %sub3A_59 = arith.subi %scan3A_50, %sub3A : i32
          %mul3A_60 = arith.constant 1000 : i32
          %mul3A_61 = arith.muli %sub3A_59, %mul3A_60 : i32
          %dma_wait3A_62 = tpu.memref_slice %arg16[%mul3A_61] : memref<10000xf32, #tpu.memory_space<vmem>> -> memref<1000xf32, #tpu.memory_space<vmem>>
          %dma_wait3A_63 = tpu.memref_slice %arg14[%mul3A_61] : memref<10000xi32, #tpu.memory_space<vmem>> -> memref<1000xi32, #tpu.memory_space<vmem>>
          %dma_wait3A_64 = arith.constant 0 : i32
          %dma_wait3A_65 = tpu.memref_slice %arg2[%dma_wait3A_64] : memref<6400000xf32, #tpu.memory_space<hbm>> -> memref<6400000xf32, #tpu.memory_space<hbm>>
          tpu.wait_indirect_dma semaphore(%arg22 : memref<!tpu.dma_semaphore, #tpu.memory_space<semaphore_mem>>) src(%dma_wait3A_65 : memref<6400000xf32, #tpu.memory_space<hbm>>) dst(%dma_wait3A_62 : memref<1000xf32, #tpu.memory_space<vmem>>)
          %dma_wait3A_66 = tpu.memref_slice %arg17[%mul3A_61] : memref<10000xf32, #tpu.memory_space<vmem>> -> memref<1000xf32, #tpu.memory_space<vmem>>
          %dma_wait3A_67 = tpu.memref_slice %arg14[%mul3A_61] : memref<10000xi32, #tpu.memory_space<vmem>> -> memref<1000xi32, #tpu.memory_space<vmem>>
          %dma_wait3A_68 = arith.constant 0 : i32
          %dma_wait3A_69 = tpu.memref_slice %arg3[%dma_wait3A_68] : memref<6400000xf32, #tpu.memory_space<hbm>> -> memref<6400000xf32, #tpu.memory_space<hbm>>
          tpu.wait_indirect_dma semaphore(%arg22 : memref<!tpu.dma_semaphore, #tpu.memory_space<semaphore_mem>>) src(%dma_wait3A_69 : memref<6400000xf32, #tpu.memory_space<hbm>>) dst(%dma_wait3A_66 : memref<1000xf32, #tpu.memory_space<vmem>>)
          %dma_wait3A_70 = tpu.memref_slice %arg18[%mul3A_61] : memref<10000xf32, #tpu.memory_space<vmem>> -> memref<1000xf32, #tpu.memory_space<vmem>>
          %dma_wait3A_71 = tpu.memref_slice %arg14[%mul3A_61] : memref<10000xi32, #tpu.memory_space<vmem>> -> memref<1000xi32, #tpu.memory_space<vmem>>
          %dma_wait3A_72 = arith.constant 0 : i32
          %dma_wait3A_73 = tpu.memref_slice %arg4[%dma_wait3A_72] : memref<6400000xf32, #tpu.memory_space<hbm>> -> memref<6400000xf32, #tpu.memory_space<hbm>>
          tpu.wait_indirect_dma semaphore(%arg22 : memref<!tpu.dma_semaphore, #tpu.memory_space<semaphore_mem>>) src(%dma_wait3A_73 : memref<6400000xf32, #tpu.memory_space<hbm>>) dst(%dma_wait3A_70 : memref<1000xf32, #tpu.memory_space<vmem>>)
          %dma_wait3A_74 = tpu.memref_slice %arg19[%mul3A_61] : memref<10000xf32, #tpu.memory_space<vmem>> -> memref<1000xf32, #tpu.memory_space<vmem>>
          %dma_wait3A_75 = tpu.memref_slice %arg14[%mul3A_61] : memref<10000xi32, #tpu.memory_space<vmem>> -> memref<1000xi32, #tpu.memory_space<vmem>>
          %dma_wait3A_76 = arith.constant 0 : i32
          %dma_wait3A_77 = tpu.memref_slice %arg5[%dma_wait3A_76] : memref<6400000xf32, #tpu.memory_space<hbm>> -> memref<6400000xf32, #tpu.memory_space<hbm>>
          tpu.wait_indirect_dma semaphore(%arg23 : memref<!tpu.dma_semaphore, #tpu.memory_space<semaphore_mem>>) src(%dma_wait3A_77 : memref<6400000xf32, #tpu.memory_space<hbm>>) dst(%dma_wait3A_74 : memref<1000xf32, #tpu.memory_space<vmem>>)
        } else {
        }
      }
      %scan3A_32 = arith.constant 13 : i32
      %scan3A_33 = arith.constant 0 : i32
      %scan3A_34 = arith.constant 0 : i32
      %scan3A_35 = arith.constant 625 : i32
      %scan3A_36 = arith.addi %scan3A_34, %scan3A_35 : i32
      %scan3A_37 = arith.constant 1 : i32
      scf.for %scan3A_50 = %scan3A_34 to %scan3A_36 step %scan3A_37  : i32 {
        %mul3A_51 = arith.constant 16 : i32
        %mul3A_52 = arith.muli %scan3A_50, %mul3A_51 : i32
        %get3A = arith.index_cast %mul3A_52 : i32 to index
        %get3A_53 = tpu.vector_load %arg19[%get3A] {strides = array<i32>} : memref<10000xf32, #tpu.memory_space<vmem>>, vector<16xf32>,
        %get3A_54 = vector.shape_cast %get3A_53 : vector<16xf32> to vector<16xf32>
        %get3A_55 = arith.index_cast %mul3A_52 : i32 to index
        %get3A_56 = tpu.vector_load %arg15[%get3A_55] {strides = array<i32>} : memref<10000xi32, #tpu.memory_space<vmem>>, vector<16xi32>,
        %get3A_57 = vector.shape_cast %get3A_56 : vector<16xi32> to vector<16xi32>
        %lt3A = arith.constant 100000 : i32
        %lt3A_58 = vector.broadcast %lt3A : i32 to vector<16xi32>
        %lt3A_59 = arith.cmpi slt, %get3A_57, %lt3A_58 : vector<16xi32>
        %mul3A_60 = arith.constant 0.628318548 : f32
        %mul3A_61 = vector.broadcast %mul3A_60 : f32 to vector<16xf32>
        %mul3A_62 = arith.mulf %get3A_54, %mul3A_61 : vector<16xf32>
        %mul3A_63 = arith.constant 5.000000e-01 : f32
        %mul3A_64 = vector.broadcast %mul3A_63 : f32 to vector<16xf32>
        %mul3A_65 = arith.mulf %mul3A_62, %mul3A_64 : vector<16xf32>
        %mul3A_66 = arith.mulf %mul3A_65, %mul3A_65 : vector<16xf32>
        %mul3A_67 = arith.constant -2.755732E-7 : f32
        %mul3A_68 = vector.broadcast %mul3A_67 : f32 to vector<16xf32>
        %mul3A_69 = arith.mulf %mul3A_68, %mul3A_66 : vector<16xf32>
        %add3A_70 = arith.constant 2.48015876E-5 : f32
        %add3A_71 = vector.broadcast %add3A_70 : f32 to vector<16xf32>
        %add3A_72 = arith.addf %mul3A_69, %add3A_71 : vector<16xf32>
        %mul3A_73 = arith.mulf %add3A_72, %mul3A_66 : vector<16xf32>
        %add3A_74 = arith.constant -0.00138888892 : f32
        %add3A_75 = vector.broadcast %add3A_74 : f32 to vector<16xf32>
        %add3A_76 = arith.addf %mul3A_73, %add3A_75 : vector<16xf32>
        %mul3A_77 = arith.mulf %add3A_76, %mul3A_66 : vector<16xf32>
        %add3A_78 = arith.constant 0.0416666679 : f32
        %add3A_79 = vector.broadcast %add3A_78 : f32 to vector<16xf32>
        %add3A_80 = arith.addf %mul3A_77, %add3A_79 : vector<16xf32>
        %mul3A_81 = arith.mulf %add3A_80, %mul3A_66 : vector<16xf32>
        %add3A_82 = arith.constant -5.000000e-01 : f32
        %add3A_83 = vector.broadcast %add3A_82 : f32 to vector<16xf32>
        %add3A_84 = arith.addf %mul3A_81, %add3A_83 : vector<16xf32>
        %mul3A_85 = arith.mulf %add3A_84, %mul3A_66 : vector<16xf32>
        %add3A_86 = arith.constant 1.000000e+00 : f32
        %add3A_87 = vector.broadcast %add3A_86 : f32 to vector<16xf32>
        %add3A_88 = arith.addf %mul3A_85, %add3A_87 : vector<16xf32>
        %mul3A_89 = arith.mulf %add3A_88, %add3A_88 : vector<16xf32>
        %jit3A = arith.constant 0.000000e+00 : f32
        %broadcast_in_dim3A = vector.broadcast %jit3A : f32 to vector<16xf32>
        %select_n3A = arith.select %lt3A_59, %mul3A_89, %broadcast_in_dim3A : vector<16xi1>, vector<16xf32>
        %swap3A = arith.index_cast %mul3A_52 : i32 to index
        %swap3A_90 = tpu.vector_load %arg20[%swap3A] {strides = array<i32>} : memref<10000xf32, #tpu.memory_space<vmem>>, vector<16xf32>,
        %swap3A_91 = vector.shape_cast %swap3A_90 : vector<16xf32> to vector<16xf32>
        %swap3A_92 = vector.shape_cast %select_n3A : vector<16xf32> to vector<16xf32>
        tpu.vector_store %arg20[%swap3A], %swap3A_92 {strides = array<i32>} : memref<10000xf32, #tpu.memory_space<vmem>>, vector<16xf32>,
        %jit3A_93 = arith.constant 1 : i32
        %jit3A_94 = arith.constant 0 : i32
        %broadcast_in_dim3A_95 = vector.broadcast %jit3A_93 : i32 to vector<16xi32>
        %broadcast_in_dim3A_96 = vector.broadcast %jit3A_94 : i32 to vector<16xi32>
        %select_n3A_97 = arith.select %lt3A_59, %broadcast_in_dim3A_95, %broadcast_in_dim3A_96 : vector<16xi1>, vector<16xi32>
        %swap3A_98 = arith.index_cast %mul3A_52 : i32 to index
        %swap3A_99 = tpu.vector_load %arg21[%swap3A_98] {strides = array<i32>} : memref<10000xi32, #tpu.memory_space<vmem>>, vector<16xi32>,
        %swap3A_100 = vector.shape_cast %swap3A_99 : vector<16xi32> to vector<16xi32>
        %swap3A_101 = vector.shape_cast %select_n3A_97 : vector<16xi32> to vector<16xi32>
        tpu.vector_store %arg21[%swap3A_98], %swap3A_101 {strides = array<i32>} : memref<10000xi32, #tpu.memory_space<vmem>>, vector<16xi32>,
      }
      %scan3A_38 = arith.constant 625 : i32
      %dma_start3A = tpu.memref_slice %arg8[%add3A_24] : memref<3200000xf32, #tpu.memory_space<hbm>> -> memref<10000xf32, #tpu.memory_space<hbm>>
      %dma_start3A_39 = tpu.memref_slice %arg8[%add3A_24] : memref<3200000xf32, #tpu.memory_space<hbm>> -> memref<10000xf32, #tpu.memory_space<hbm>>
      tpu.enqueue_dma source(%arg16 : memref<10000xf32, #tpu.memory_space<vmem>>) target(%dma_start3A_39 : memref<10000xf32, #tpu.memory_space<hbm>>) target_semaphore(%arg24 : memref<!tpu.dma_semaphore, #tpu.memory_space<semaphore_mem>>)
      %dma_start3A_40 = tpu.memref_slice %arg9[%add3A_24] : memref<3200000xf32, #tpu.memory_space<hbm>> -> memref<10000xf32, #tpu.memory_space<hbm>>
      %dma_start3A_41 = tpu.memref_slice %arg9[%add3A_24] : memref<3200000xf32, #tpu.memory_space<hbm>> -> memref<10000xf32, #tpu.memory_space<hbm>>
      tpu.enqueue_dma source(%arg17 : memref<10000xf32, #tpu.memory_space<vmem>>) target(%dma_start3A_41 : memref<10000xf32, #tpu.memory_space<hbm>>) target_semaphore(%arg24 : memref<!tpu.dma_semaphore, #tpu.memory_space<semaphore_mem>>)
      %dma_start3A_42 = tpu.memref_slice %arg10[%add3A_24] : memref<3200000xf32, #tpu.memory_space<hbm>> -> memref<10000xf32, #tpu.memory_space<hbm>>
      %dma_start3A_43 = tpu.memref_slice %arg10[%add3A_24] : memref<3200000xf32, #tpu.memory_space<hbm>> -> memref<10000xf32, #tpu.memory_space<hbm>>
      tpu.enqueue_dma source(%arg18 : memref<10000xf32, #tpu.memory_space<vmem>>) target(%dma_start3A_43 : memref<10000xf32, #tpu.memory_space<hbm>>) target_semaphore(%arg24 : memref<!tpu.dma_semaphore, #tpu.memory_space<semaphore_mem>>)
      %dma_start3A_44 = tpu.memref_slice %arg11[%add3A_24] : memref<3200000xf32, #tpu.memory_space<hbm>> -> memref<10000xf32, #tpu.memory_space<hbm>>
      %dma_start3A_45 = tpu.memref_slice %arg11[%add3A_24] : memref<3200000xf32, #tpu.memory_space<hbm>> -> memref<10000xf32, #tpu.memory_space<hbm>>
      tpu.enqueue_dma source(%arg19 : memref<10000xf32, #tpu.memory_space<vmem>>) target(%dma_start3A_45 : memref<10000xf32, #tpu.memory_space<hbm>>) target_semaphore(%arg24 : memref<!tpu.dma_semaphore, #tpu.memory_space<semaphore_mem>>)
      %dma_start3A_46 = tpu.memref_slice %arg12[%add3A_24] : memref<3200000xf32, #tpu.memory_space<hbm>> -> memref<10000xf32, #tpu.memory_space<hbm>>
      %dma_start3A_47 = tpu.memref_slice %arg12[%add3A_24] : memref<3200000xf32, #tpu.memory_space<hbm>> -> memref<10000xf32, #tpu.memory_space<hbm>>
      tpu.enqueue_dma source(%arg20 : memref<10000xf32, #tpu.memory_space<vmem>>) target(%dma_start3A_47 : memref<10000xf32, #tpu.memory_space<hbm>>) target_semaphore(%arg24 : memref<!tpu.dma_semaphore, #tpu.memory_space<semaphore_mem>>)
      %dma_start3A_48 = tpu.memref_slice %arg13[%add3A_24] : memref<3200000xi32, #tpu.memory_space<hbm>> -> memref<10000xi32, #tpu.memory_space<hbm>>
      %dma_start3A_49 = tpu.memref_slice %arg13[%add3A_24] : memref<3200000xi32, #tpu.memory_space<hbm>> -> memref<10000xi32, #tpu.memory_space<hbm>>
      tpu.enqueue_dma source(%arg21 : memref<10000xi32, #tpu.memory_space<vmem>>) target(%dma_start3A_49 : memref<10000xi32, #tpu.memory_space<hbm>>) target_semaphore(%arg24 : memref<!tpu.dma_semaphore, #tpu.memory_space<semaphore_mem>>)
    }
    %scan3A_7 = arith.constant 10 : i32
    %add3A_8 = arith.constant 90000 : i32
    %add3A_9 = arith.addi %mul3A_2, %add3A_8 : i32
    %dma_wait3A = tpu.memref_slice %arg8[%add3A_9] : memref<3200000xf32, #tpu.memory_space<hbm>> -> memref<10000xf32, #tpu.memory_space<hbm>>
    %dma_wait3A_10 = tpu.memref_slice %arg8[%add3A_9] : memref<3200000xf32, #tpu.memory_space<hbm>> -> memref<10000xf32, #tpu.memory_space<hbm>>
    tpu.wait_dma2 semaphore(%arg24 : memref<!tpu.dma_semaphore, #tpu.memory_space<semaphore_mem>>) src(%arg16 : memref<10000xf32, #tpu.memory_space<vmem>>) dst(%dma_wait3A_10 : memref<10000xf32, #tpu.memory_space<hbm>>)
    %dma_wait3A_11 = tpu.memref_slice %arg9[%add3A_9] : memref<3200000xf32, #tpu.memory_space<hbm>> -> memref<10000xf32, #tpu.memory_space<hbm>>
    %dma_wait3A_12 = tpu.memref_slice %arg9[%add3A_9] : memref<3200000xf32, #tpu.memory_space<hbm>> -> memref<10000xf32, #tpu.memory_space<hbm>>
    tpu.wait_dma2 semaphore(%arg24 : memref<!tpu.dma_semaphore, #tpu.memory_space<semaphore_mem>>) src(%arg17 : memref<10000xf32, #tpu.memory_space<vmem>>) dst(%dma_wait3A_12 : memref<10000xf32, #tpu.memory_space<hbm>>)
    %dma_wait3A_13 = tpu.memref_slice %arg10[%add3A_9] : memref<3200000xf32, #tpu.memory_space<hbm>> -> memref<10000xf32, #tpu.memory_space<hbm>>
    %dma_wait3A_14 = tpu.memref_slice %arg10[%add3A_9] : memref<3200000xf32, #tpu.memory_space<hbm>> -> memref<10000xf32, #tpu.memory_space<hbm>>
    tpu.wait_dma2 semaphore(%arg24 : memref<!tpu.dma_semaphore, #tpu.memory_space<semaphore_mem>>) src(%arg18 : memref<10000xf32, #tpu.memory_space<vmem>>) dst(%dma_wait3A_14 : memref<10000xf32, #tpu.memory_space<hbm>>)
    %dma_wait3A_15 = tpu.memref_slice %arg11[%add3A_9] : memref<3200000xf32, #tpu.memory_space<hbm>> -> memref<10000xf32, #tpu.memory_space<hbm>>
    %dma_wait3A_16 = tpu.memref_slice %arg11[%add3A_9] : memref<3200000xf32, #tpu.memory_space<hbm>> -> memref<10000xf32, #tpu.memory_space<hbm>>
    tpu.wait_dma2 semaphore(%arg24 : memref<!tpu.dma_semaphore, #tpu.memory_space<semaphore_mem>>) src(%arg19 : memref<10000xf32, #tpu.memory_space<vmem>>) dst(%dma_wait3A_16 : memref<10000xf32, #tpu.memory_space<hbm>>)
    %dma_wait3A_17 = tpu.memref_slice %arg12[%add3A_9] : memref<3200000xf32, #tpu.memory_space<hbm>> -> memref<10000xf32, #tpu.memory_space<hbm>>
    %dma_wait3A_18 = tpu.memref_slice %arg12[%add3A_9] : memref<3200000xf32, #tpu.memory_space<hbm>> -> memref<10000xf32, #tpu.memory_space<hbm>>
    tpu.wait_dma2 semaphore(%arg24 : memref<!tpu.dma_semaphore, #tpu.memory_space<semaphore_mem>>) src(%arg20 : memref<10000xf32, #tpu.memory_space<vmem>>) dst(%dma_wait3A_18 : memref<10000xf32, #tpu.memory_space<hbm>>)
    %dma_wait3A_19 = tpu.memref_slice %arg13[%add3A_9] : memref<3200000xi32, #tpu.memory_space<hbm>> -> memref<10000xi32, #tpu.memory_space<hbm>>
    %dma_wait3A_20 = tpu.memref_slice %arg13[%add3A_9] : memref<3200000xi32, #tpu.memory_space<hbm>> -> memref<10000xi32, #tpu.memory_space<hbm>>
    tpu.wait_dma2 semaphore(%arg24 : memref<!tpu.dma_semaphore, #tpu.memory_space<semaphore_mem>>) src(%arg21 : memref<10000xi32, #tpu.memory_space<vmem>>) dst(%dma_wait3A_20 : memref<10000xi32, #tpu.memory_space<hbm>>)
    return
  }
}

</mosaic_0001>

<sc_bundles>
// kernel: kernel.3.cloned.1.call-start
scs
__scs_entry_jumppad:
0x0: {  	(pc) =	sbr.rel $0x88, $3  }
0x1: {  	(tag) =	ssettag $0x0;
	lr =	simm.s32 $0x1  }
0x2: {  	[smem:$0x3F9D] =	sst lr;
	_ =	strace $0xD0000000  }
0x3: {  	_ = 	snop  }
0x4: {  	_ = 	snop  }
0x5: {  	_ = 	snop  }
0x6: {  	_ = 	snop  }
0x7: {  	_ = 	snop  }
__scs_overlays_trampoline_lowered:
0x8: {  	[smem:$0x3FAC] =	sst s0  }
0x9: {  	[smem:$0x3FAD] =	sst s1  }
0xa: {  	[smem:$0x3FAE] =	sst s2  }
0xb: {  	[smem:$0x3FAF] =	sst s3  }
0xc: {  	[smem:$0x3FB0] =	sst s4  }
0xd: {  	[smem:$0x3FB1] =	sst s5  }
0xe: {  	[smem:$0x3FB2] =	sst s6  }
0xf: {  	[smem:$0x3FB3] =	sst s7  }
0x10: {  	[smem:$0x3FB4] =	sst s8  }
0x11: {  	[smem:$0x3FB5] =	sst s9;
	s0 =	simm.s32 @!p0 $0x0  }
0x12: {  	s1 =	sld [smem:$0x3F9B];
	s0 =	simm.s32 @p0 $0x1  }
0x13: {  	[smem:$0x3FB6] =	sst s0;
	s0 =	simm.s32 @!p1 $0x0  }
0x14: {  	s2 =	sld [smem:$0x3F9A];
	s0 =	simm.s32 @p1 $0x1  }
0x15: {  	[smem:$0x3FB7] =	sst s0;
	s0 =	simm.s32 @!p2 $0x0  }
0x16: {  	s3 =	sld [smem:$0x3FDB];
	s0 =	simm.s32 @p2 $0x1  }
0x17: {  	s4 =	simm.s32 $0x1BF5;
	[smem:$0x3FB9] =	sst s0  }
0x18: {  	s0 =	sld [smem:$0x3F9C];
	_ =	swait.ge [sflag:s4], $0x0  }
0x19: {  	s7 =	sld [smem:$0x3F9D]  }
0x1a: {  	s8 =	sadd.s32 $0xFFFFE003, lr  }
0x1b: {  	s9 =	sadd.s32 $0xFFFFFEF7, lr;
	s5 =	simm.s32 $0xFFFFFFFF;
	p2 =	slt.u32 s8, $0xFFFFF086  }
0x1c: {  	p1 =	slt.u32 s9, $0xF7A;
	s5 =	simm.s32 @!p2 $0x0  }
0x1d: {  	s5 =	simm.s32 @p1 $0x1;
	p0 =	seq.s32 s7, s2  }
0x1e: {  	s7 =	smul.u32 @!p0 $0xF7A, s2;
	p2 =	seq.s32 @!p0 s5, $0x0  }
0x1f: {  	s9 =	smul.u32 $0xF7A, s1;
	s8 =	simm.s32 @!p0 $0x1BF5;
	p2 =	por !p2, p0  }
0x20: {  	[sflag:s8] =	ssyncset.s32 @!p0 $0xFFFFF086;
	s6 =	sadd.s32 @!p0 s3, s7;
	s7 =	simm.s32 @!p0 $0x108  }
0x21: {  	s3 =	sadd.s32 s3, s9;
	s6 =	sadd.s32 @!p0 $0x88, s6;
	s7 =	simm.s32 @p2 $0x1082  }
0x22: {  	[simem:s7], [sflag:s8] =	dma.local @!p0 [hbm:s6], $0xF7A  }
0x23: {  	s9 =	sor.u32 $0xD0000000, s2;
	s6 =	simm.s32 $0x108;
	_ =	swait.ge @!p0 [sflag:s8], $0x0  }
0x24: {  	s3 =	sadd.s32 $0x88, s3;
	s6 =	simm.s32 @!p1 $0x1082;
	[sflag:s4] =	ssyncset.s32 $0xFFFFF086  }
0x25: {  	[simem:s6], [sflag:s4] =	dma.local [hbm:s3], $0xF7A  }
0x26: {  	[smem:$0x3F9D] =	sst s1;
	(tag) =	ssettag s2;
	_ =	strace s9  }
0x27: {  	s1 =	sld [smem:$0x3FAD]  }
0x28: {  	s2 =	sld [smem:$0x3FAE]  }
0x29: {  	s4 =	sld [smem:$0x3FB0]  }
0x2a: {  	p0 =	seq.s32 s5, $0x0;
	s5 =	sld [smem:$0x3FB1]  }
0x2b: {  	s6 =	sld [smem:$0x3FB2]  }
0x2c: {  	s7 =	sld [smem:$0x3FB3]  }
0x2d: {  	s3 =	simm.s32 $0x108;
	s8 =	sld [smem:$0x3FB4]  }
0x2e: {  	s3 =	simm.s32 @!p0 $0x1082;
	s9 =	sld [smem:$0x3FB5]  }
0x2f: {  	lr =	sadd.s32 s0, s3;
	s0 =	sld [smem:$0x3FAC]  }
0x30: {  	s3 =	sld [smem:$0x3FAF]  }
0x31: {  	[smem:$0x3FB8] =	sst s10  }
0x32: {  	s10 =	sld [smem:$0x3FB6];
	_ =	sdelay $0x3  }
0x33: {  	p0 =	seq.s32 s10, $0x1;
	s10 =	sld [smem:$0x3FB8];
	_ =	sdelay $0x3  }
0x34: {  	[smem:$0x3FB8] =	sst s10  }
0x35: {  	s10 =	sld [smem:$0x3FB7];
	_ =	sdelay $0x3  }
0x36: {  	p1 =	seq.s32 s10, $0x1;
	s10 =	sld [smem:$0x3FB8];
	_ =	sdelay $0x3  }
0x37: {  	[smem:$0x3FB8] =	sst s10  }
0x38: {  	s10 =	sld [smem:$0x3FB9]  }
0x39: {  	_ = 	snop;
	(pc) =	sbr.ind lr, $3  }
0x3a: {  	_ = 	snop  }
0x3b: {  	_ = 	snop  }
0x3c: {  	p2 =	seq.s32 s10, $0x1;
	s10 =	sld [smem:$0x3FB8]  }
0x3d: {  	_ =	shalt  }
0x3e: {  	_ =	shalt  }
0x3f: {  	_ =	shalt  }
0x40: {  	_ =	shalt  }
0x41: {  	_ =	shalt  }
0x42: {  	_ =	shalt  }
0x43: {  	_ =	shalt  }
0x44: {  	_ =	shalt  }
0x45: {  	_ =	shalt  }
0x46: {  	_ =	shalt  }
0x47: {  	_ =	shalt  }
0x48: {  	_ =	shalt  }
0x49: {  	_ =	shalt  }
0x4a: {  	_ =	shalt  }
0x4b: {  	_ =	shalt  }
0x4c: {  	_ =	shalt  }
0x4d: {  	_ =	shalt  }
0x4e: {  	_ =	shalt  }
0x4f: {  	_ =	shalt  }
0x50: {  	_ =	shalt  }
0x51: {  	_ =	shalt  }
0x52: {  	_ =	shalt  }
0x53: {  	_ =	shalt  }
0x54: {  	_ =	shalt  }
0x55: {  	_ =	shalt  }
0x56: {  	_ =	shalt  }
0x57: {  	_ =	shalt  }
0x58: {  	_ =	shalt  }
0x59: {  	_ =	shalt  }
0x5a: {  	_ =	shalt  }
0x5b: {  	_ =	shalt  }
0x5c: {  	_ =	shalt  }
0x5d: {  	_ =	shalt  }
0x5e: {  	_ =	shalt  }
0x5f: {  	_ =	shalt  }
0x60: {  	_ =	shalt  }
0x61: {  	_ =	shalt  }
0x62: {  	_ =	shalt  }
0x63: {  	_ =	shalt  }
0x64: {  	_ =	shalt  }
0x65: {  	_ =	shalt  }
0x66: {  	_ =	shalt  }
0x67: {  	_ =	shalt  }
0x68: {  	_ =	shalt  }
0x69: {  	_ =	shalt  }
0x6a: {  	_ =	shalt  }
0x6b: {  	_ =	shalt  }
0x6c: {  	_ =	shalt  }
0x6d: {  	_ =	shalt  }
0x6e: {  	_ =	shalt  }
0x6f: {  	_ =	shalt  }
0x70: {  	_ =	shalt  }
0x71: {  	_ =	shalt  }
0x72: {  	_ =	shalt  }
0x73: {  	_ =	shalt  }
0x74: {  	_ =	shalt  }
0x75: {  	_ =	shalt  }
0x76: {  	_ =	shalt  }
0x77: {  	_ =	shalt  }
0x78: {  	_ =	shalt  }
0x79: {  	_ =	shalt  }
0x7a: {  	_ =	shalt  }
0x7b: {  	_ =	shalt  }
0x7c: {  	_ =	shalt  }
0x7d: {  	_ =	shalt  }
0x7e: {  	_ =	shalt  }
0x7f: {  	_ =	shalt  }
0x80: {  	_ =	shalt  }
0x81: {  	_ =	shalt  }
0x82: {  	_ =	shalt  }
0x83: {  	_ =	shalt  }
0x84: {  	_ =	shalt  }
0x85: {  	_ =	shalt  }
0x86: {  	_ =	shalt  }
0x87: {  	_ =	shalt  }
.Lfunc_end0:
.L_simem_size_0:
called_computation_lowered:
.L_overlay_start_0:
0x88: {  	s2 =	sld [smem:$0x3FD9]  }
0x89: {  	s3 =	sld [smem:$0x3FFE];
	_ =	sdelay $0x1  }
0x8a: {  	s1 =	srdreg.scid  }
0x8b: {  	s0 =	sand.u32 $0x1, s1  }
0x8c: {  	s14 =	sshll.u32 s0, $0xA;
	s2 =	sadd.s32 s3, s2  }
0x8d: {  	s2 =	sadd.s32 s2, s14  }
0x8e: {  	[smem:$0x3FC4] =	sst s2  }
0x8f: {  	_ = 	snop  }
0x90: {  	s2 =	sld [smem:$0x3FD0]  }
0x91: {  	s15 =	sld [smem:$0x3FC8]  }
0x92: {  	s4 =	sld [smem:$0x3FC7]  }
0x93: {  	s6 =	simm.s32 $0xA;
	s7 =	simm.s32 $0x10;
	s5 =	sld [smem:$0x3FC6]  }
0x94: {  	[smem:s7], [sflag:s6] =	dma.local [hbm:s2], $0x1  }
0x95: {  	_ =	swait.eq [sflag:s6], $0x1  }
0x96: {  	s16 =	sld [smem:$0x10];
	[sflag:s6] =	ssyncset.done $0x0  }
0x97: {  	s17 =	sld [smem:$0x11];
	[sflag:s6] =	ssyncadd.s32 $0xFFFFFFFF  }
0x98: {  	s18 =	sld [smem:$0x12];
	(tm) =	ssettm $0x1  }
0x99: {  	s8 =	sld [smem:$0x3FFB];
	_ =	sdelay $0x3  }
0x9a: {  	_ =	strace s8  }
0x9b: {  	s8 =	sld [smem:$0x3FFC];
	_ =	sdelay $0x3  }
0x9c: {  	_ =	strace s8  }
0x9d: {  	s8 =	sld [smem:$0x3FFD];
	_ =	sdelay $0x3  }
0x9e: {  	_ =	strace s8  }
0x9f: {  	_ =	strace $0x8FFFFFFF  }
0xa0: {  	s19 =	sld [smem:$0x3FDB];
	_ =	sdelay $0x1  }
0xa1: {  	s9 =	simm.s32 $_scs_section_size  }
0xa2: {  	s10 =	simm.s32 $_size__tile_overlayer_lowered;
	s11 =	simm.s32 $_tile_overlayer_lowered  }
0xa3: {  	s22 =	simm.s32 $0x1BFF;
	s21 =	sshll.u32 s11, $0x1;
	s8 =	sadd.s32 s9, s19  }
0xa4: {  	s12 =	simm.s32 $0x0;
	s20 =	sshll.u32 s10, $0x1;
	s10 =	sadd.s32 s21, s8  }
0xa5: {  	[timem:s12], [sflag:s22] =	dma.local [hbm:s10], s20  }
0xa6: {  	_ =	swait.ge [sflag:s22], s20  }
0xa7: {  	s9 =	ssub.s32 $0x0, s20;
	[sflag:s22] =	ssyncset.done $0x0  }
0xa8: {  	[sflag:s22] =	ssyncadd.s32 s9;
	_ =	sdelay $0x1  }
0xa9: {  	s23 =	simm.s32 $0x1B8B  }
0xaa: {  	_ =	swait.ge [sflag:s23], $0x1  }
0xab: {  	[sflag:s23] =	ssyncset.done $0x0  }
0xac: {  	s25 =	simm.s32 $0x1B8E;
	s24 =	sld [smem:$0x3FFE];
	[sflag:s23] =	ssyncadd.s32 $0xFFFFFFFF  }
0xad: {  	s26 =	simm.s32 $execute0_lowered;
	[smem:$0x3FD2] =	sst s25  }
0xae: {  	s10 =	sshll.u32 s26, $0x1;
	_ =	strace $0x80000046;
	[dreg:$0x1] =	wrdreg $0xFFFFFFFF  }
0xaf: {  	s28 =	simm.s32 $_size_execute0_lowered;
	s8 =	sadd.s32 s8, s10;
	[dreg:$0x0] =	wrdreg $0x0  }
0xb0: {  	s10 =	sshll.u32 s28, $0x1;
	[dreg:$0x2] =	wrdreg s8  }
0xb1: {  	[dreg:$0x3] =	wrdreg s10  }
0xb2: {  	[dreg:$0x4] =	wrdreg $0xC0  }
0xb3: {  	_ =	task [dreg:s12], $0x5FFFF  }
0xb4: {  	[dreg:$0x1] =	wrdreg $0xFFFFFFFF  }
0xb5: {  	[dreg:$0x0] =	wrdreg $0x60  }
0xb6: {  	[dreg:$0x2] =	wrdreg s24  }
0xb7: {  	[dreg:$0x3] =	wrdreg s16  }
0xb8: {  	[dreg:$0x4] =	wrdreg s15  }
0xb9: {  	[dreg:$0x5] =	wrdreg s4  }
0xba: {  	[dreg:$0x6] =	wrdreg s5  }
0xbb: {  	[dreg:$0x7] =	wrdreg s17  }
0xbc: {  	[dreg:$0x8] =	wrdreg s18  }
0xbd: {  	[dreg:$0x9] =	wrdreg $0x9  }
0xbe: {  	_ =	task.clear_ibuf [dreg:s12], $0xAFFFF;
	_ =	strace $0x90000046  }
0xbf: {  	s29 =	simm.s32 $0x9;
	_ =	strace $0x80000048  }
0xc0: {  	_ =	swait.ge [sflag:s29], $0x1  }
0xc1: {  	[sflag:s29] =	ssyncadd.s32 $0xFFFFFFFF  }
0xc2: {  	_ =	strace $0x90000048  }
0xc3: {  	_ =	sfence  }
0xc4: {  	s30 =	sld [smem:$0x0];
	_ =	sdelay $0x2  }
0xc5: {  	s31 =	sshll.u32 s1, $0xD;
	s1 =	sshrl.u32 s1, $0x2  }
0xc6: {  	s3 =	sand.u32 $0x4000, s31;
	s1 =	sadd.s32 s1, s30  }
0xc7: {  	s0 =	sor.u32 s3, s0;
	s1 =	sshll.u32 s1, $0x11  }
0xc8: {  	s0 =	sor.u32 s1, s0  }
0xc9: {  	s0 =	sadd.s32 $0x8F2B, s0  }
0xca: {  	[sflag:s0] =	ssyncadd.remote.s32 $0x1  }
0xcb: {  	_ =	sfence.sel $0xFFFF  }
0xcc: {  	[dreg:$0x0] =	wrdreg $0xFFFFFFFF;
	(pc) =	sbr.abs _section_cstart, $3  }
0xcd: {  	[dreg:$0x1] =	wrdreg $0xFFFFFFFF  }
0xce: {  	_ =	task.clear_ibuf [dreg:s12], $0x2FFFF;
	_ =	strace $0x9FFFFFFF  }
0xcf: {  	(tm) =	ssettm $0x7FFFFFFF  }
tec
execute0_lowered:
.L_overlay_start_1:
0x0: {  	(tag) =	ssettag $0x1  }
0x1: {  	s0 =	rddreg [dreg:$0x0]  }
0x2: {  	s1 =	rddreg [dreg:$0x1]  }
0x3: {  	s2 =	rddreg [dreg:$0x2]  }
0x4: {  	s7 =	simm.s32 $0x0;
	s3 =	srdreg.scid;
	s6 =	stileid.u32  }
0x5: {  	s17 =	simm.s32 $0x4;
	s19 =	simm.s32 $0x3E8;
	s20 =	simm.s32 $0x4E20  }
0x6: {  	s21 =	simm.s32 $0x7530;
	s22 =	simm.s32 $0x9C40;
	s23 =	simm.s32 $0xC350  }
0x7: {  	s29 =	simm.s32 $0x7D0;
	s16 =	simm.s32 $0xBB8;
	s18 =	simm.s32 $0x1  }
0x8: {  	s24 =	simm.s32 $0x2;
	s28 =	simm.s32 $0x1F40;
	s11 =	simm.s32 $0x0  }
0x9: {  	[smem:$0x7FF] =	sst s7;
	s9 =	sadd.s32 $0xC4000, s0;
	s10 =	sadd.s32 $0xA00, s0  }
0xa: {  	s3 =	sand.u32 $0x1, s3;
	s4 =	sadd.s32 $0x1E9200, s0;
	s5 =	sadd.s32 $0x24AE00, s0  }
0xb: {  	s6 =	sshll.u32 s6, $0x1;
	_ =	strace $0x80000047;
	[dreg:$0x8] =	wrdreg s4  }
0xc: {  	s8 =	sadd.s32 $0x2ACA00, s0;
	s0 =	sadd.s32 $0x187600, s0;
	[dreg:$0x9] =	wrdreg s5  }
0xd: {  	s25 =	ssub.s32 $0x2, s3;
	[dreg:$0xa] =	wrdreg s8;
	s3 =	sor.u32 s3, s6  }
0xe: {  	[dreg:$0xb] =	wrdreg s0;
	s26 =	sshrl.u32 s25, $0x1;
	s30 =	smul.u32 $0x186A0, s3  }
0xf: {  	s0 =	simm.s32 $0x1388;
	s6 =	simm.s32 $0x1770;
	s4 =	ssub.s32 s25, s26  }
0x10: {  	s8 =	simm.s32 $0x1B58;
	[dreg:$0xc] =	wrdreg s30;
	s31 =	smax.u32 s4, $0x1  }
0x11: {  	v0 =	vimm.s32 $0x0;
	s5 =	simm.s32 $0x2328;
	s25 =	simm.s32 $0xFA0;
	[dreg:$0xd] =	wrdreg s31  }
.LBB2_1:
0x12: {  	[dreg:$0xe] =	wrdreg s11;
	s30 =	simm.s32 $0x0  }
.LBB2_2:
0x13: {  	s3 =	smul.u32 $0x2710, s30  }
0x14: {  	s4 =	rddreg [dreg:$0xc]  }
0x15: {  	s3 =	sadd.s32 s4, s3  }
0x16: {  	s12 =	rddreg [dreg:$0x4];
	s31 =	sshrl.u32 s3, $0x3  }
0x17: {  	s3 =	sadd.s32 s12, s31  }
0x18: {  	[tilespmem:s7], [sflag:$0x4] =	stream.linear.gather [hbm4b:s3+s7], $0x2710, $0x38;
	[tilespmem:$0x13880] =	vst v63  }
0x19: {  	_ =	swait.ge [sflag:s17], $0x2710  }
0x1a: {  	[sflag:s17] =	ssyncset.done $0x0  }
0x1b: {  	[sflag:s17] =	ssyncadd.s32 $0xFFFFD8F0  }
0x1c: {  	s13 =	rddreg [dreg:$0x3]  }
0x1d: {  	s14 =	simm.s32 $0x2710;
	s3 =	sadd.s32 s13, s31  }
0x1e: {  	[tilespmem:s14], [sflag:$0x4] =	stream.linear.gather [hbm4b:s3+s7], $0x2710, $0x38;
	[tilespmem:$0x13880] =	vst v63  }
0x1f: {  	_ =	swait.ge [sflag:s17], $0x2710  }
0x20: {  	p0 =	seq.s32 s30, $0x0;
	[sflag:s17] =	ssyncset.done $0x0  }
0x21: {  	s3 =	simm.s32 @!p0 $0x3;
	[sflag:s17] =	ssyncadd.s32 $0xFFFFD8F0  }
0x22: {  	_ =	swait.ge @!p0 [sflag:s3], $0x2710  }
0x23: {  	[sflag:s3] =	ssyncset.done @!p0 $0x0  }
0x24: {  	[sflag:s3] =	ssyncadd.s32 @!p0 $0xFFFFD8F0  }
0x25: {  	_ =	swait.ge @!p0 [sflag:s3], $0x2710  }
0x26: {  	[sflag:s3] =	ssyncset.done @!p0 $0x0  }
0x27: {  	[sflag:s3] =	ssyncadd.s32 @!p0 $0xFFFFD8F0  }
0x28: {  	_ =	swait.ge @!p0 [sflag:s3], $0x2710  }
0x29: {  	[sflag:s3] =	ssyncset.done @!p0 $0x0  }
0x2a: {  	[sflag:s3] =	ssyncadd.s32 @!p0 $0xFFFFD8F0  }
0x2b: {  	_ =	swait.ge @!p0 [sflag:s3], $0x2710  }
0x2c: {  	[sflag:s3] =	ssyncset.done @!p0 $0x0  }
0x2d: {  	[sflag:s3] =	ssyncadd.s32 @!p0 $0xFFFFD8F0  }
0x2e: {  	_ =	swait.ge @!p0 [sflag:s3], $0x2710  }
0x2f: {  	[sflag:s3] =	ssyncset.done @!p0 $0x0  }
0x30: {  	[sflag:s3] =	ssyncadd.s32 @!p0 $0xFFFFD8F0  }
0x31: {  	_ =	swait.ge @!p0 [sflag:s3], $0x2710  }
0x32: {  	[sflag:s3] =	ssyncset.done @!p0 $0x0  }
0x33: {  	s15 =	simm.s32 $0x0;
	[sflag:s3] =	ssyncadd.s32 @!p0 $0xFFFFD8F0  }
0x34: {  	[tilespmem:s20], [sflag:$0x1] =	stream.indirect.gather [hbm4b:s9+s19], $0x1, s15, s19, $0xb8;
	[tilespmem:$0x13880] =	vst v63  }
0x35: {  	_ = 	snop  }
0x36: {  	[tilespmem:s21], [sflag:$0x1] =	stream.indirect.gather [hbm4b:s10+s19], $0x1, s15, s19, $0xb8;
	[tilespmem:$0x13880] =	vst v63  }
0x37: {  	_ = 	snop  }
0x38: {  	[tilespmem:s22], [sflag:$0x1] =	stream.indirect.gather [hbm4b:s1+s19], $0x1, s15, s19, $0xb8;
	[tilespmem:$0x13880] =	vst v63  }
0x39: {  	_ = 	snop  }
0x3a: {  	[tilespmem:s23], [sflag:$0x2] =	stream.indirect.gather [hbm4b:s2+s19], $0x1, s15, s19, $0xb8;
	[tilespmem:$0x13880] =	vst v63  }
0x3b: {  	s26 =	simm.s32 $0x5208  }
0x3c: {  	[tilespmem:s26], [sflag:$0x1] =	stream.indirect.gather [hbm4b:s9+s19], $0x1, s19, s19, $0xb8;
	[tilespmem:$0x13880] =	vst v63  }
0x3d: {  	s4 =	simm.s32 $0x7918  }
0x3e: {  	[tilespmem:s4], [sflag:$0x1] =	stream.indirect.gather [hbm4b:s10+s19], $0x1, s19, s19, $0xb8;
	[tilespmem:$0x13880] =	vst v63  }
0x3f: {  	s11 =	simm.s32 $0xA028  }
0x40: {  	[tilespmem:s11], [sflag:$0x1] =	stream.indirect.gather [hbm4b:s1+s19], $0x1, s19, s19, $0xb8;
	[tilespmem:$0x13880] =	vst v63  }
0x41: {  	s12 =	simm.s32 $0xC738  }
0x42: {  	[tilespmem:s12], [sflag:$0x2] =	stream.indirect.gather [hbm4b:s2+s19], $0x1, s19, s19, $0xb8;
	[tilespmem:$0x13880] =	vst v63  }
0x43: {  	s13 =	simm.s32 $0x55F0  }
0x44: {  	[tilespmem:s13], [sflag:$0x1] =	stream.indirect.gather [hbm4b:s9+s19], $0x1, s29, s19, $0xb8;
	[tilespmem:$0x13880] =	vst v63  }
0x45: {  	s14 =	simm.s32 $0x7D00  }
0x46: {  	[tilespmem:s14], [sflag:$0x1] =	stream.indirect.gather [hbm4b:s10+s19], $0x1, s29, s19, $0xb8;
	[tilespmem:$0x13880] =	vst v63  }
0x47: {  	s15 =	simm.s32 $0xA410  }
0x48: {  	[tilespmem:s15], [sflag:$0x1] =	stream.indirect.gather [hbm4b:s1+s19], $0x1, s29, s19, $0xb8;
	[tilespmem:$0x13880] =	vst v63  }
0x49: {  	s26 =	simm.s32 $0xCB20  }
0x4a: {  	[tilespmem:s26], [sflag:$0x2] =	stream.indirect.gather [hbm4b:s2+s19], $0x1, s29, s19, $0xb8;
	[tilespmem:$0x13880] =	vst v63  }
0x4b: {  	s4 =	simm.s32 $0x59D8  }
0x4c: {  	[tilespmem:s4], [sflag:$0x1] =	stream.indirect.gather [hbm4b:s9+s19], $0x1, s16, s19, $0xb8;
	[tilespmem:$0x13880] =	vst v63  }
0x4d: {  	s11 =	simm.s32 $0x80E8  }
0x4e: {  	[tilespmem:s11], [sflag:$0x1] =	stream.indirect.gather [hbm4b:s10+s19], $0x1, s16, s19, $0xb8;
	[tilespmem:$0x13880] =	vst v63  }
0x4f: {  	s12 =	simm.s32 $0xA7F8  }
0x50: {  	[tilespmem:s12], [sflag:$0x1] =	stream.indirect.gather [hbm4b:s1+s19], $0x1, s16, s19, $0xb8;
	[tilespmem:$0x13880] =	vst v63  }
0x51: {  	s13 =	simm.s32 $0xCF08  }
0x52: {  	[tilespmem:s13], [sflag:$0x2] =	stream.indirect.gather [hbm4b:s2+s19], $0x1, s16, s19, $0xb8;
	[tilespmem:$0x13880] =	vst v63  }
0x53: {  	_ =	swait.ge [sflag:s18], $0x3E8  }
0x54: {  	[sflag:s18] =	ssyncset.done $0x0  }
0x55: {  	[sflag:s18] =	ssyncadd.s32 $0xFFFFFC18  }
0x56: {  	_ =	swait.ge [sflag:s18], $0x3E8  }
0x57: {  	[sflag:s18] =	ssyncset.done $0x0  }
0x58: {  	[sflag:s18] =	ssyncadd.s32 $0xFFFFFC18  }
0x59: {  	_ =	swait.ge [sflag:s18], $0x3E8  }
0x5a: {  	[sflag:s18] =	ssyncset.done $0x0  }
0x5b: {  	[sflag:s18] =	ssyncadd.s32 $0xFFFFFC18  }
0x5c: {  	_ =	swait.ge [sflag:s24], $0x3E8  }
0x5d: {  	[sflag:s24] =	ssyncset.done $0x0  }
0x5e: {  	s14 =	simm.s32 $0x5DC0;
	[sflag:s24] =	ssyncadd.s32 $0xFFFFFC18  }
0x5f: {  	[tilespmem:s14], [sflag:$0x1] =	stream.indirect.gather [hbm4b:s9+s19], $0x1, s25, s19, $0xb8;
	[tilespmem:$0x13880] =	vst v63  }
0x60: {  	s15 =	simm.s32 $0x84D0  }
0x61: {  	[tilespmem:s15], [sflag:$0x1] =	stream.indirect.gather [hbm4b:s10+s19], $0x1, s25, s19, $0xb8;
	[tilespmem:$0x13880] =	vst v63  }
0x62: {  	s26 =	simm.s32 $0xABE0  }
0x63: {  	[tilespmem:s26], [sflag:$0x1] =	stream.indirect.gather [hbm4b:s1+s19], $0x1, s25, s19, $0xb8;
	[tilespmem:$0x13880] =	vst v63  }
0x64: {  	s4 =	simm.s32 $0xD2F0  }
0x65: {  	[tilespmem:s4], [sflag:$0x2] =	stream.indirect.gather [hbm4b:s2+s19], $0x1, s25, s19, $0xb8;
	[tilespmem:$0x13880] =	vst v63  }
0x66: {  	_ =	swait.ge [sflag:s18], $0x3E8  }
0x67: {  	[sflag:s18] =	ssyncset.done $0x0  }
0x68: {  	[sflag:s18] =	ssyncadd.s32 $0xFFFFFC18  }
0x69: {  	_ =	swait.ge [sflag:s18], $0x3E8  }
0x6a: {  	[sflag:s18] =	ssyncset.done $0x0  }
0x6b: {  	[sflag:s18] =	ssyncadd.s32 $0xFFFFFC18  }
0x6c: {  	_ =	swait.ge [sflag:s18], $0x3E8  }
0x6d: {  	[sflag:s18] =	ssyncset.done $0x0  }
0x6e: {  	[sflag:s18] =	ssyncadd.s32 $0xFFFFFC18  }
0x6f: {  	_ =	swait.ge [sflag:s24], $0x3E8  }
0x70: {  	[sflag:s24] =	ssyncset.done $0x0  }
0x71: {  	s11 =	simm.s32 $0x61A8;
	[sflag:s24] =	ssyncadd.s32 $0xFFFFFC18  }
0x72: {  	[tilespmem:s11], [sflag:$0x1] =	stream.indirect.gather [hbm4b:s9+s19], $0x1, s0, s19, $0xb8;
	[tilespmem:$0x13880] =	vst v63  }
0x73: {  	s12 =	simm.s32 $0x88B8  }
0x74: {  	[tilespmem:s12], [sflag:$0x1] =	stream.indirect.gather [hbm4b:s10+s19], $0x1, s0, s19, $0xb8;
	[tilespmem:$0x13880] =	vst v63  }
0x75: {  	s13 =	simm.s32 $0xAFC8  }
0x76: {  	[tilespmem:s13], [sflag:$0x1] =	stream.indirect.gather [hbm4b:s1+s19], $0x1, s0, s19, $0xb8;
	[tilespmem:$0x13880] =	vst v63  }
0x77: {  	s14 =	simm.s32 $0xD6D8  }
0x78: {  	[tilespmem:s14], [sflag:$0x2] =	stream.indirect.gather [hbm4b:s2+s19], $0x1, s0, s19, $0xb8;
	[tilespmem:$0x13880] =	vst v63  }
0x79: {  	_ =	swait.ge [sflag:s18], $0x3E8  }
0x7a: {  	[sflag:s18] =	ssyncset.done $0x0  }
0x7b: {  	[sflag:s18] =	ssyncadd.s32 $0xFFFFFC18  }
0x7c: {  	_ =	swait.ge [sflag:s18], $0x3E8  }
0x7d: {  	[sflag:s18] =	ssyncset.done $0x0  }
0x7e: {  	[sflag:s18] =	ssyncadd.s32 $0xFFFFFC18  }
0x7f: {  	_ =	swait.ge [sflag:s18], $0x3E8  }
0x80: {  	[sflag:s18] =	ssyncset.done $0x0  }
0x81: {  	[sflag:s18] =	ssyncadd.s32 $0xFFFFFC18  }
0x82: {  	_ =	swait.ge [sflag:s24], $0x3E8  }
0x83: {  	[sflag:s24] =	ssyncset.done $0x0  }
0x84: {  	s15 =	simm.s32 $0x6590;
	[sflag:s24] =	ssyncadd.s32 $0xFFFFFC18  }
0x85: {  	[tilespmem:s15], [sflag:$0x1] =	stream.indirect.gather [hbm4b:s9+s19], $0x1, s6, s19, $0xb8;
	[tilespmem:$0x13880] =	vst v63  }
0x86: {  	s26 =	simm.s32 $0x8CA0  }
0x87: {  	[tilespmem:s26], [sflag:$0x1] =	stream.indirect.gather [hbm4b:s10+s19], $0x1, s6, s19, $0xb8;
	[tilespmem:$0x13880] =	vst v63  }
0x88: {  	s4 =	simm.s32 $0xB3B0  }
0x89: {  	[tilespmem:s4], [sflag:$0x1] =	stream.indirect.gather [hbm4b:s1+s19], $0x1, s6, s19, $0xb8;
	[tilespmem:$0x13880] =	vst v63  }
0x8a: {  	s11 =	simm.s32 $0xDAC0  }
0x8b: {  	[tilespmem:s11], [sflag:$0x2] =	stream.indirect.gather [hbm4b:s2+s19], $0x1, s6, s19, $0xb8;
	[tilespmem:$0x13880] =	vst v63  }
0x8c: {  	_ =	swait.ge [sflag:s18], $0x3E8  }
0x8d: {  	[sflag:s18] =	ssyncset.done $0x0  }
0x8e: {  	[sflag:s18] =	ssyncadd.s32 $0xFFFFFC18  }
0x8f: {  	_ =	swait.ge [sflag:s18], $0x3E8  }
0x90: {  	[sflag:s18] =	ssyncset.done $0x0  }
0x91: {  	[sflag:s18] =	ssyncadd.s32 $0xFFFFFC18  }
0x92: {  	_ =	swait.ge [sflag:s18], $0x3E8  }
0x93: {  	[sflag:s18] =	ssyncset.done $0x0  }
0x94: {  	[sflag:s18] =	ssyncadd.s32 $0xFFFFFC18  }
0x95: {  	_ =	swait.ge [sflag:s24], $0x3E8  }
0x96: {  	[sflag:s24] =	ssyncset.done $0x0  }
0x97: {  	s12 =	simm.s32 $0x6978;
	[sflag:s24] =	ssyncadd.s32 $0xFFFFFC18  }
0x98: {  	[tilespmem:s12], [sflag:$0x1] =	stream.indirect.gather [hbm4b:s9+s19], $0x1, s8, s19, $0xb8;
	[tilespmem:$0x13880] =	vst v63  }
0x99: {  	s13 =	simm.s32 $0x9088  }
0x9a: {  	[tilespmem:s13], [sflag:$0x1] =	stream.indirect.gather [hbm4b:s10+s19], $0x1, s8, s19, $0xb8;
	[tilespmem:$0x13880] =	vst v63  }
0x9b: {  	s14 =	simm.s32 $0xB798  }
0x9c: {  	[tilespmem:s14], [sflag:$0x1] =	stream.indirect.gather [hbm4b:s1+s19], $0x1, s8, s19, $0xb8;
	[tilespmem:$0x13880] =	vst v63  }
0x9d: {  	s15 =	simm.s32 $0xDEA8  }
0x9e: {  	[tilespmem:s15], [sflag:$0x2] =	stream.indirect.gather [hbm4b:s2+s19], $0x1, s8, s19, $0xb8;
	[tilespmem:$0x13880] =	vst v63  }
0x9f: {  	_ =	swait.ge [sflag:s18], $0x3E8  }
0xa0: {  	[sflag:s18] =	ssyncset.done $0x0  }
0xa1: {  	[sflag:s18] =	ssyncadd.s32 $0xFFFFFC18  }
0xa2: {  	_ =	swait.ge [sflag:s18], $0x3E8  }
0xa3: {  	[sflag:s18] =	ssyncset.done $0x0  }
0xa4: {  	[sflag:s18] =	ssyncadd.s32 $0xFFFFFC18  }
0xa5: {  	_ =	swait.ge [sflag:s18], $0x3E8  }
0xa6: {  	[sflag:s18] =	ssyncset.done $0x0  }
0xa7: {  	[sflag:s18] =	ssyncadd.s32 $0xFFFFFC18  }
0xa8: {  	_ =	swait.ge [sflag:s24], $0x3E8  }
0xa9: {  	[sflag:s24] =	ssyncset.done $0x0  }
0xaa: {  	s26 =	simm.s32 $0x6D60;
	[sflag:s24] =	ssyncadd.s32 $0xFFFFFC18  }
0xab: {  	[tilespmem:s26], [sflag:$0x1] =	stream.indirect.gather [hbm4b:s9+s19], $0x1, s28, s19, $0xb8;
	[tilespmem:$0x13880] =	vst v63  }
0xac: {  	s4 =	simm.s32 $0x9470  }
0xad: {  	[tilespmem:s4], [sflag:$0x1] =	stream.indirect.gather [hbm4b:s10+s19], $0x1, s28, s19, $0xb8;
	[tilespmem:$0x13880] =	vst v63  }
0xae: {  	s11 =	simm.s32 $0xBB80  }
0xaf: {  	[tilespmem:s11], [sflag:$0x1] =	stream.indirect.gather [hbm4b:s1+s19], $0x1, s28, s19, $0xb8;
	[tilespmem:$0x13880] =	vst v63  }
0xb0: {  	s12 =	simm.s32 $0xE290  }
0xb1: {  	[tilespmem:s12], [sflag:$0x2] =	stream.indirect.gather [hbm4b:s2+s19], $0x1, s28, s19, $0xb8;
	[tilespmem:$0x13880] =	vst v63  }
0xb2: {  	_ =	swait.ge [sflag:s18], $0x3E8  }
0xb3: {  	[sflag:s18] =	ssyncset.done $0x0  }
0xb4: {  	[sflag:s18] =	ssyncadd.s32 $0xFFFFFC18  }
0xb5: {  	_ =	swait.ge [sflag:s18], $0x3E8  }
0xb6: {  	[sflag:s18] =	ssyncset.done $0x0  }
0xb7: {  	[sflag:s18] =	ssyncadd.s32 $0xFFFFFC18  }
0xb8: {  	_ =	swait.ge [sflag:s18], $0x3E8  }
0xb9: {  	[sflag:s18] =	ssyncset.done $0x0  }
0xba: {  	[sflag:s18] =	ssyncadd.s32 $0xFFFFFC18  }
0xbb: {  	_ =	swait.ge [sflag:s24], $0x3E8  }
0xbc: {  	[sflag:s24] =	ssyncset.done $0x0  }
0xbd: {  	s13 =	simm.s32 $0x7148;
	[sflag:s24] =	ssyncadd.s32 $0xFFFFFC18  }
0xbe: {  	[tilespmem:s13], [sflag:$0x1] =	stream.indirect.gather [hbm4b:s9+s19], $0x1, s5, s19, $0xb8;
	[tilespmem:$0x13880] =	vst v63  }
0xbf: {  	s14 =	simm.s32 $0x9858  }
0xc0: {  	[tilespmem:s14], [sflag:$0x1] =	stream.indirect.gather [hbm4b:s10+s19], $0x1, s5, s19, $0xb8;
	[tilespmem:$0x13880] =	vst v63  }
0xc1: {  	s15 =	simm.s32 $0xBF68  }
0xc2: {  	[tilespmem:s15], [sflag:$0x1] =	stream.indirect.gather [hbm4b:s1+s19], $0x1, s5, s19, $0xb8;
	[tilespmem:$0x13880] =	vst v63  }
0xc3: {  	s26 =	simm.s32 $0xE678  }
0xc4: {  	[tilespmem:s26], [sflag:$0x2] =	stream.indirect.gather [hbm4b:s2+s19], $0x1, s5, s19, $0xb8;
	[tilespmem:$0x13880] =	vst v63  }
0xc5: {  	_ =	swait.ge [sflag:s18], $0x3E8  }
0xc6: {  	[sflag:s18] =	ssyncset.done $0x0  }
0xc7: {  	[sflag:s18] =	ssyncadd.s32 $0xFFFFFC18  }
0xc8: {  	_ =	swait.ge [sflag:s18], $0x3E8  }
0xc9: {  	[sflag:s18] =	ssyncset.done $0x0  }
0xca: {  	[sflag:s18] =	ssyncadd.s32 $0xFFFFFC18  }
0xcb: {  	_ =	swait.ge [sflag:s18], $0x3E8  }
0xcc: {  	[sflag:s18] =	ssyncset.done $0x0  }
0xcd: {  	[sflag:s18] =	ssyncadd.s32 $0xFFFFFC18  }
0xce: {  	_ =	swait.ge [sflag:s24], $0x3E8  }
0xcf: {  	[sflag:s24] =	ssyncset.done $0x0  }
0xd0: {  	[sflag:s24] =	ssyncadd.s32 $0xFFFFFC18  }
0xd1: {  	_ =	swait.ge [sflag:s18], $0x3E8  }
0xd2: {  	[sflag:s18] =	ssyncset.done $0x0  }
0xd3: {  	[sflag:s18] =	ssyncadd.s32 $0xFFFFFC18  }
0xd4: {  	_ =	swait.ge [sflag:s18], $0x3E8  }
0xd5: {  	[sflag:s18] =	ssyncset.done $0x0  }
0xd6: {  	[sflag:s18] =	ssyncadd.s32 $0xFFFFFC18  }
0xd7: {  	_ =	swait.ge [sflag:s18], $0x3E8  }
0xd8: {  	[sflag:s18] =	ssyncset.done $0x0  }
0xd9: {  	[sflag:s18] =	ssyncadd.s32 $0xFFFFFC18  }
0xda: {  	_ =	swait.ge [sflag:s24], $0x3E8  }
0xdb: {  	[sflag:s24] =	ssyncset.done $0x0  }
0xdc: {  	[sflag:s24] =	ssyncadd.s32 $0xFFFFFC18  }
0xdd: {  	_ =	swait.ge [sflag:s18], $0x3E8  }
0xde: {  	[sflag:s18] =	ssyncset.done $0x0  }
0xdf: {  	[sflag:s18] =	ssyncadd.s32 $0xFFFFFC18  }
0xe0: {  	_ =	swait.ge [sflag:s18], $0x3E8  }
0xe1: {  	[sflag:s18] =	ssyncset.done $0x0  }
0xe2: {  	[sflag:s18] =	ssyncadd.s32 $0xFFFFFC18  }
0xe3: {  	_ =	swait.ge [sflag:s18], $0x3E8  }
0xe4: {  	[sflag:s18] =	ssyncset.done $0x0  }
0xe5: {  	[sflag:s18] =	ssyncadd.s32 $0xFFFFFC18  }
0xe6: {  	_ =	swait.ge [sflag:s24], $0x3E8  }
0xe7: {  	[sflag:s24] =	ssyncset.done $0x0  }
0xe8: {  	[sflag:s24] =	ssyncadd.s32 $0xFFFFFC18  }
0xe9: {  	_ =	swait.ge [sflag:s18], $0x3E8  }
0xea: {  	[sflag:s18] =	ssyncset.done $0x0  }
0xeb: {  	[sflag:s18] =	ssyncadd.s32 $0xFFFFFC18  }
0xec: {  	_ =	swait.ge [sflag:s18], $0x3E8  }
0xed: {  	[sflag:s18] =	ssyncset.done $0x0  }
0xee: {  	[sflag:s18] =	ssyncadd.s32 $0xFFFFFC18  }
0xef: {  	_ =	swait.ge [sflag:s18], $0x3E8  }
0xf0: {  	[sflag:s18] =	ssyncset.done $0x0  }
0xf1: {  	[sflag:s18] =	ssyncadd.s32 $0xFFFFFC18  }
0xf2: {  	_ =	swait.ge [sflag:s24], $0x3E8  }
0xf3: {  	[sflag:s24] =	ssyncset.done $0x0  }
0xf4: {  	s13 =	simm.s32 $0x0;
	[sflag:s24] =	ssyncadd.s32 $0xFFFFFC18  }
0xf5: {  	v1 =	vld [tilespmem:s13+$0xC350];
	_ =	sdelay $0x3  }
0xf6: {  	s11 =	simm.s32 $0x10  }
0xf7: {  	v2 =	vld [tilespmem:s11+$0xC350];
	v1 =	vmul.f32 $6.283185480e-01, v1;
	_ =	sdelay $0x1  }
0xf8: {  	v1 =	vmul.f32 $5.000000000e-01, v1;
	_ =	sdelay $0x1  }
0xf9: {  	s4 =	simm.s32 $0x20;
	v3 =	vmul.f32 v1, v1  }
0xfa: {  	v4 =	vld [tilespmem:s4+$0xC350];
	v1 =	vmul.f32 $6.283185480e-01, v2  }
0xfb: {  	v2 =	vmul.f32 $-2.755732000e-07, v3  }
0xfc: {  	v1 =	vmul.f32 $5.000000000e-01, v1  }
0xfd: {  	v2 =	vadd.f32 $2.480158760e-05, v2  }
0xfe: {  	v8 =	vmul.f32 v1, v1  }
0xff: {  	s26 =	simm.s32 $0x30;
	v1 =	vmul.f32 v2, v3;
	v2 =	vmul.f32 $6.283185480e-01, v4  }
0x100: {  	v5 =	vld [tilespmem:s26+$0xC350];
	v4 =	vmul.f32 $-2.755732000e-07, v8  }
0x101: {  	v1 =	vadd.f32 $-1.388888920e-03, v1;
	v2 =	vmul.f32 $5.000000000e-01, v2  }
0x102: {  	v4 =	vadd.f32 $2.480158760e-05, v4  }
0x103: {  	v1 =	vmul.f32 v1, v3;
	v2 =	vmul.f32 v2, v2  }
0x104: {  	v4 =	vmul.f32 v4, v8  }
0x105: {  	v5 =	vmul.f32 $6.283185480e-01, v5;
	v1 =	vadd.f32 $4.166666790e-02, v1;
	v6 =	vmul.f32 $-2.755732000e-07, v2  }
0x106: {  	s3 =	simm.s32 $0x40;
	v4 =	vadd.f32 $-1.388888920e-03, v4  }
0x107: {  	v7 =	vld [tilespmem:s3+$0xC350];
	v5 =	vmul.f32 $5.000000000e-01, v5;
	v1 =	vmul.f32 v1, v3;
	v6 =	vadd.f32 $2.480158760e-05, v6  }
0x108: {  	v4 =	vmul.f32 v4, v8  }
0x109: {  	v9 =	vadd.f32 $-5.000000000e-01, v1;
	v1 =	vmul.f32 v5, v5;
	v5 =	vmul.f32 v6, v2;
	_ =	sdelay $0x1  }
0x10a: {  	v10 =	vld [tilespmem:s13+$0x2710];
	v4 =	vadd.f32 $4.166666790e-02, v4;
	v3 =	vmul.f32 v9, v3;
	v5 =	vadd.f32 $-1.388888920e-03, v5  }
0x10b: {  	s12 =	simm.s32 $0x50;
	v6 =	vmul.f32 $6.283185480e-01, v7;
	v7 =	vmul.f32 $-2.755732000e-07, v1  }
0x10c: {  	v4 =	vmul.f32 v4, v8;
	v3 =	vadd.f32 $1.000000000e+00, v3;
	v9 =	vmul.f32 v5, v2;
	v5 =	vld [tilespmem:s12+$0xC350]  }
0x10d: {  	v6 =	vmul.f32 $5.000000000e-01, v6;
	v7 =	vadd.f32 $2.480158760e-05, v7  }
0x10e: {  	v11 =	vadd.f32 $-5.000000000e-01, v4;
	v12 =	vmul.f32 v3, v3  }
0x10f: {  	vm0 =	vlt.s32 v10, $0x186A0;
	v3 =	vmul.f32 v6, v6;
	v6 =	vmul.f32 v7, v1  }
0x110: {  	s14 =	simm.s32 $0x180;
	v4 =	vld [tilespmem:s11+$0x2710];
	v7 =	vadd.f32 $4.166666790e-02, v9;
	v8 =	vmul.f32 v11, v8;
	v9 =	vnsel vm0, $0x0, v12  }
.LBB2_3:
0x111: {  	v10 =	vmul.f32 $6.283185480e-01, v5  }
0x112: {  	s15 =	sshra.s32 s14, $0x2;
	v11 =	vmul.f32 $-2.755732000e-07, v3;
	[tilespmem:s13+$0xEA60] =	vst v9;
	v9 =	vsel vm0, $0x1, v0;
	v12 =	vmov v3;
	p0 =	sne.s32 s14, $0x9C00  }
.Ltmp0:
0x113: {  	s14 =	sadd.s32 $0x40, s14;
	v3 =	vadd.f32 $-1.388888920e-03, v6;
	v5 =	vld [tilespmem:s15+$0xC350];
	v6 =	vmul.f32 v7, v2;
	v7 =	vadd.f32 $1.000000000e+00, v8;
	[tilespmem:s13+$0x11170] =	vst v9;
	(pc) =	sbr.rel @p0 .LBB2_3-.Ltmp0, $4  }
0x114: {  	s13 =	smov.u32 s11;
	s11 =	smov.u32 s4;
	s4 =	smov.u32 s26;
	v8 =	vmul.f32 $5.000000000e-01, v10;
	v9 =	vadd.f32 $2.480158760e-05, v11  }
0x115: {  	s26 =	smov.u32 s3;
	s3 =	smov.u32 s12;
	s12 =	smov.u32 s15;
	v10 =	vmul.f32 v3, v1;
	v11 =	vadd.f32 $-5.000000000e-01, v6;
	v13 =	vmul.f32 v7, v7  }
0x116: {  	v3 =	vmul.f32 v8, v8;
	v6 =	vmul.f32 v9, v12;
	vm0 =	vlt.s32 v4, $0x186A0  }
0x117: {  	v7 =	vadd.f32 $4.166666790e-02, v10;
	v4 =	vld [tilespmem:s11+$0x2710];
	v8 =	vmul.f32 v11, v2;
	v9 =	vnsel vm0, $0x0, v13;
	v2 =	vmovc v1;
	v1 =	vmovc v12  }
0x118: {  	v5 =	vmul.f32 $6.283185480e-01, v5;
	_ =	sdelay $0x1  }
0x119: {  	v5 =	vmul.f32 $5.000000000e-01, v5  }
0x11a: {  	v6 =	vadd.f32 $-1.388888920e-03, v6  }
0x11b: {  	v10 =	vmul.f32 $-2.755732000e-07, v3;
	v5 =	vmul.f32 v5, v5  }
0x11c: {  	v7 =	vmul.f32 v7, v2;
	v6 =	vmul.f32 v6, v1  }
0x11d: {  	v8 =	vadd.f32 $1.000000000e+00, v8;
	v10 =	vadd.f32 $2.480158760e-05, v10;
	v11 =	vmul.f32 $-2.755732000e-07, v5  }
0x11e: {  	v12 =	vsel vm0, $0x1, v0;
	v7 =	vadd.f32 $-5.000000000e-01, v7;
	v6 =	vadd.f32 $4.166666790e-02, v6  }
0x11f: {  	[tilespmem:s13+$0xEA60] =	vst v9;
	v8 =	vmul.f32 v8, v8;
	v48 =	vmul.f32 v10, v3;
	v49 =	vadd.f32 $2.480158760e-05, v11  }
0x120: {  	[tilespmem:s13+$0x11170] =	vst v12;
	vm11 =	vlt.s32 v4, $0x186A0;
	v2 =	vmul.f32 v7, v2;
	v50 =	vmul.f32 v6, v1  }
0x121: {  	v51 =	vld [tilespmem:s4+$0x2710];
	v52 =	vnsel vm11, $0x0, v8;
	v53 =	vadd.f32 $-1.388888920e-03, v48;
	v54 =	vmul.f32 v49, v5  }
0x122: {  	v55 =	vsel vm11, $0x1, v0;
	[tilespmem:s11+$0xEA60] =	vst v52;
	v4 =	vadd.f32 $-5.000000000e-01, v50  }
0x123: {  	[tilespmem:s11+$0x11170] =	vst v55;
	v2 =	vadd.f32 $1.000000000e+00, v2;
	v56 =	vmul.f32 v53, v3;
	v57 =	vadd.f32 $-1.388888920e-03, v54  }
0x124: {  	v58 =	vld [tilespmem:s26+$0x2710];
	v1 =	vmul.f32 v4, v1  }
0x125: {  	v2 =	vmul.f32 v2, v2;
	v59 =	vadd.f32 $4.166666790e-02, v56;
	v60 =	vmul.f32 v57, v5  }
0x126: {  	vm12 =	vlt.s32 v51, $0x186A0;
	v1 =	vadd.f32 $1.000000000e+00, v1  }
0x127: {  	v2 =	vnsel vm12, $0x0, v2;
	v4 =	vmul.f32 v59, v3;
	v61 =	vadd.f32 $4.166666790e-02, v60  }
0x128: {  	[tilespmem:s4+$0xEA60] =	vst v2;
	v2 =	vsel vm12, $0x1, v0;
	v1 =	vmul.f32 v1, v1  }
0x129: {  	vm13 =	vlt.s32 v58, $0x186A0;
	[tilespmem:s4+$0x11170] =	vst v2;
	v2 =	vadd.f32 $-5.000000000e-01, v4;
	v62 =	vmul.f32 v61, v5  }
0x12a: {  	v1 =	vnsel vm13, $0x0, v1  }
0x12b: {  	v63 =	vld [tilespmem:s3+$0x2710];
	v2 =	vmul.f32 v2, v3;
	[tilespmem:s26+$0xEA60] =	vst v1;
	v1 =	vsel vm13, $0x1, v0;
	v3 =	vadd.f32 $-5.000000000e-01, v62  }
0x12c: {  	[tilespmem:s26+$0x11170] =	vst v1  }
0x12d: {  	v1 =	vadd.f32 $1.000000000e+00, v2;
	v2 =	vld [tilespmem:s12+$0x2710];
	v3 =	vmul.f32 v3, v5;
	_ =	sdelay $0x1  }
0x12e: {  	v1 =	vmul.f32 v1, v1;
	v3 =	vadd.f32 $1.000000000e+00, v3  }
0x12f: {  	vm14 =	vlt.s32 v63, $0x186A0  }
0x130: {  	v1 =	vnsel vm14, $0x0, v1;
	v3 =	vmul.f32 v3, v3  }
0x131: {  	[tilespmem:s3+$0xEA60] =	vst v1;
	v1 =	vsel vm14, $0x1, v0;
	vm15 =	vlt.s32 v2, $0x186A0  }
0x132: {  	[tilespmem:s3+$0x11170] =	vst v1;
	v1 =	vnsel vm15, $0x0, v3  }
0x133: {  	s4 =	rddreg [dreg:$0x8];
	[tilespmem:s12+$0xEA60] =	vst v1;
	v1 =	vsel vm15, $0x1, v0  }
0x134: {  	s11 =	rddreg [dreg:$0x9];
	s3 =	sadd.s32 s4, s31;
	[tilespmem:s12+$0x11170] =	vst v1  }
0x135: {  	[hbm4b:s3+s7] =	stream.linear.scatter [tilespmem:s20], [sflag:$0x3], $0x2710, $0x38;
	[tilespmem:$0x13880] =	vst v63  }
0x136: {  	s12 =	rddreg [dreg:$0xa];
	s3 =	sadd.s32 s11, s31  }
0x137: {  	[hbm4b:s3+s7] =	stream.linear.scatter [tilespmem:s21], [sflag:$0x3], $0x2710, $0x38;
	[tilespmem:$0x13880] =	vst v63  }
0x138: {  	s30 =	sadd.s32 $0x1, s30;
	s13 =	rddreg [dreg:$0x5];
	s3 =	sadd.s32 s12, s31  }
0x139: {  	[hbm4b:s3+s7] =	stream.linear.scatter [tilespmem:s22], [sflag:$0x3], $0x2710, $0x38;
	[tilespmem:$0x13880] =	vst v63  }
0x13a: {  	p0 =	sne.s32 s30, $0xA;
	s3 =	sadd.s32 s13, s31  }
0x13b: {  	[hbm4b:s3+s7] =	stream.linear.scatter [tilespmem:s23], [sflag:$0x3], $0x2710, $0x38;
	[tilespmem:$0x13880] =	vst v63  }
.Ltmp1:
0x13c: {  	s14 =	rddreg [dreg:$0x6];
	(pc) =	sbr.rel @p0 .LBB2_2-.Ltmp1, $4  }
0x13d: {  	s15 =	simm.s32 $0xEA60;
	s26 =	rddreg [dreg:$0xb];
	s3 =	sadd.s32 s14, s31  }
0x13e: {  	[hbm4b:s3+s7] =	stream.linear.scatter [tilespmem:s15], [sflag:$0x3], $0x2710, $0x38;
	[tilespmem:$0x13880] =	vst v63  }
0x13f: {  	s3 =	sadd.s32 s26, s31;
	s31 =	simm.s32 $0x11170  }
0x140: {  	[hbm4b:s3+s7] =	stream.linear.scatter [tilespmem:s31], [sflag:$0x3], $0x2710, $0x38;
	[tilespmem:$0x13880] =	vst v63  }
0x141: {  	s4 =	simm.s32 $0x3  }
0x142: {  	_ =	swait.ge [sflag:s4], $0x2710  }
0x143: {  	[sflag:s4] =	ssyncset.done $0x0  }
0x144: {  	[sflag:s4] =	ssyncadd.s32 $0xFFFFD8F0  }
0x145: {  	_ =	swait.ge [sflag:s4], $0x2710  }
0x146: {  	[sflag:s4] =	ssyncset.done $0x0  }
0x147: {  	[sflag:s4] =	ssyncadd.s32 $0xFFFFD8F0  }
0x148: {  	_ =	swait.ge [sflag:s4], $0x2710  }
0x149: {  	[sflag:s4] =	ssyncset.done $0x0  }
0x14a: {  	[sflag:s4] =	ssyncadd.s32 $0xFFFFD8F0  }
0x14b: {  	_ =	swait.ge [sflag:s4], $0x2710  }
0x14c: {  	[sflag:s4] =	ssyncset.done $0x0  }
0x14d: {  	[sflag:s4] =	ssyncadd.s32 $0xFFFFD8F0  }
0x14e: {  	_ =	swait.ge [sflag:s4], $0x2710  }
0x14f: {  	[sflag:s4] =	ssyncset.done $0x0  }
0x150: {  	[sflag:s4] =	ssyncadd.s32 $0xFFFFD8F0  }
0x151: {  	_ =	swait.ge [sflag:s4], $0x2710  }
0x152: {  	s11 =	rddreg [dreg:$0xe]  }
0x153: {  	s3 =	rddreg [dreg:$0xd];
	s11 =	sadd.s32 $0x1, s11  }
0x154: {  	p0 =	sne.s32 s11, s3  }
.Ltmp2:
0x155: {  	_ = 	snop;
	(pc) =	sbr.rel @p0 .LBB2_1-.Ltmp2, $3  }
0x156: {  	_ =	sdelay $0x1  }
0x157: {  	[sflag:s4] =	ssyncset.done $0x0  }
0x158: {  	[sflag:s4] =	ssyncadd.s32 $0xFFFFD8F0  }
0x159: {  	_ =	sfence.sel $0x180000  }
0x15a: {  	[bflag:$0x0] =	sbarrier.arrive $0xFFFF  }
0x15b: {  	_ =	strace $0x90000047  }
0x15c: {  	s0 =	stileid.u32;
	[bflag:$0x2] =	sbarrier.arrive $0xFFFF  }
0x15d: {  	p0 =	sne.s32 s0, $0x0;
	s0 =	rddreg [dreg:$0x7]  }
0x15e: {  	s0 =	sadd.s32 @!p0 $0x100000, s0  }
0x15f: {  	[sflag:s0] =	ssyncadd.tile.s32 @!p0 $0x1;
	_ =	shalt  }
.Lfunc_end2:
_tile_overlayer_lowered:
.L_overlay_start_2:
0x160: {  	(tag) =	ssettag $0x2  }
0x161: {  	s0 =	rddreg [dreg:$0x0];
	s2 =	stileid.u32  }
0x162: {  	s1 =	rddreg [dreg:$0x1];
	p0 =	sne.s32 s2, $0x0  }
0x163: {  	s3 =	rddreg [dreg:$0x2];
	[bflag:$0x3] =	sbarrier.arrive $0xFFFF;
	s2 =	simm.s32 @!p0 $0x1C04  }
0x164: {  	[timem:s3], [sflag:s2] =	dma.local @!p0 [hbm:s0], s1  }
0x165: {  	s0 =	simm.s32 @!p0 $0x4  }
0x166: {  	_ =	swait.ge @!p0 [sflag:s0], s1  }
0x167: {  	s1 =	ssub.s32 @!p0 $0x0, s1;
	[sflag:s0] =	ssyncset.done @!p0 $0x0  }
0x168: {  	[sflag:s0] =	ssyncadd.s32 @!p0 s1  }
0x169: {  	[bflag:$0x3] =	sbarrier.arrive $0xFFFF  }
0x16a: {  	_ =	shalt  }

</sc_bundles>
